<compile_context>
chip_gen: v7x
topology: tpu7x:2x2x1
jax: 0.10.2.dev20260603
libtpu: 0.0.44.dev20260713+nightly
codegen_flags: <defaults>
</compile_context>

<pallas_src>
import functools

import jax
import jax.numpy as jnp
from jax import lax
from jax.experimental import pallas as pl
from jax.experimental.pallas import tpu as pltpu
from jax.experimental.pallas import tpu_sc as plsc

_VOCAB = 1000000
_EMBED = 32
_BATCH = 16384
_CTX = 20

_CHUNK_B = 64
_CHUNK_ROWS = _CHUNK_B * _CTX


def _sc_pool(table, inputs):
  mesh = plsc.VectorSubcoreMesh(core_axis_name="c", subcore_axis_name="s")
  n_chunks = _BATCH // _CHUNK_B

  @functools.partial(
      pl.kernel,
      out_type=jax.ShapeDtypeStruct((_BATCH, _EMBED), jnp.float32),
      mesh=mesh,
      compiler_params=pltpu.CompilerParams(use_tc_tiling_on_sc=False),
      scratch_types=[
          pltpu.VMEM((_CHUNK_ROWS, _EMBED), jnp.float32),
          pltpu.SemaphoreType.DMA,
      ],
  )
  def pool_kernel(table_hbm, idx_hbm, out_hbm, rows_v, sem):
    def body(idx_v, out_v):
      @pl.loop(0, _CHUNK_B)
      def _(b):
        pltpu.async_copy(
            table_hbm.at[idx_v.at[b]],
            rows_v.at[pl.ds(b * _CTX, _CTX)],
            sem,
        )
      pltpu.make_async_copy(
          table_hbm.at[pl.ds(0, _CHUNK_ROWS)], rows_v, sem
      ).wait()

      @pl.loop(0, _CHUNK_B)
      def _(b):
        base = b * _CTX
        s0 = rows_v[base, pl.ds(0, 16)]
        s1 = rows_v[base, pl.ds(16, 16)]
        for j in range(1, _CTX):
          s0 += rows_v[base + j, pl.ds(0, 16)]
          s1 += rows_v[base + j, pl.ds(16, 16)]
        out_v[b, pl.ds(0, 16)] = s0
        out_v[b, pl.ds(16, 16)] = s1

    pltpu.emit_pipeline(
        body,
        grid=(n_chunks,),
        in_specs=[
            pl.BlockSpec((_CHUNK_B, _CTX), index_map=lambda i: (i, 0)),
        ],
        out_specs=[
            pl.BlockSpec((_CHUNK_B, _EMBED), index_map=lambda i: (i, 0)),
        ],
        core_axis_name=("c", "s"),
        dimension_semantics=(pltpu.PARALLEL,),
    )(idx_hbm, out_hbm)

  return pool_kernel(table, inputs)


def _tc_project(pooled, W, b):
  def proj_kernel(pooled_ref, w_ref, b_ref, out_ref):
    w_row = w_ref[...]
    prod = pooled_ref[...] * w_row
    s = jnp.sum(prod, axis=1, keepdims=True)
    out_ref[...] = s * (1.0 / _CTX) + b_ref[0, 0]

  return pl.pallas_call(
      proj_kernel,
      out_shape=jax.ShapeDtypeStruct((_BATCH, 1), jnp.float32),
      in_specs=[
          pl.BlockSpec(memory_space=pltpu.VMEM),
          pl.BlockSpec(memory_space=pltpu.VMEM),
          pl.BlockSpec(memory_space=pltpu.SMEM),
      ],
      out_specs=pl.BlockSpec(memory_space=pltpu.VMEM),
  )(pooled, W, b.reshape(1, 1))


@jax.jit
def kernel(inputs, table, W, b):
  pooled = _sc_pool(table, inputs)
  return _tc_project(pooled, W, b)

# --- scband reference (transcript-rebuilt; emitter-appended) ---
"""Pipeline reference for scband-cbow-77953656422571 (READ-ONLY COPY).

The authoritative reference and input builder live on the scoring server;
editing this copy changes nothing except your own understanding.
"""

import jax, jax.numpy as jnp
import numpy as np

VOCAB = 1000000
EMBED = 32
BATCH = 16384
CTX = 20

def setup_inputs(seed: int = 0) -> dict:
    key = jax.random.key(seed)
    k1, k2, k3, k4 = jax.random.split(key, 4)
    inputs = jax.random.randint(k1, (BATCH, CTX), 0, VOCAB, dtype=jnp.int64 if jax.config.jax_enable_x64 else jnp.int32).astype(jnp.int32)
    table = jax.random.normal(k2, (VOCAB, EMBED), dtype=jnp.float32)
    W = jax.random.normal(k3, (1, EMBED), dtype=jnp.float32) * (1.0 / np.sqrt(EMBED))
    b = jax.random.normal(k4, (1,), dtype=jnp.float32) * 0.01
    return {"inputs": inputs, "table": table, "W": W, "b": b}

def reference(inputs, table, W, b):
    # embeddings = self.embeddings(inputs).mean(dim=1)
    emb = jnp.take(table, inputs, axis=0)            # [B, CTX, EMBED]
    emb_mean = jnp.mean(emb, axis=1)                 # [B, EMBED]
    # outputs = self.linear(embeddings)
    out = emb_mean @ W.T + b                          # [B, 1]
    return out

if __name__ == "__main__":
    import jax
    _d = setup_inputs()
    print(jax.jit(kernel)(*tuple(_d.values())))

</pallas_src>

<mosaic_0001>
#map = affine_map<(d0, d1) -> (0, 0)>
module attributes {stable_mosaic.version = 14 : i64} {
  func.func @pool_kernel(%arg0: i32, %arg1: i32, %arg2: memref<1000000x32xf32, #tpu.memory_space<hbm>>, %arg3: memref<16384x20xi32, #tpu.memory_space<hbm>>, %arg4: memref<16384x32xf32, #tpu.memory_space<hbm>>, %arg5: memref<1280x32xf32, #tpu.memory_space<vmem>>, %arg6: memref<!tpu.dma_semaphore, #tpu.memory_space<semaphore_mem>>) attributes {dimension_semantics = [#tpu.dimension_semantics<core_parallel>, #tpu.dimension_semantics<subcore_parallel>], iteration_bounds = array<i64: 2, 16>, scalar_prefetch = 0 : i64, scratch_operands = 2 : i64, tpu.core_type = #tpu.core_type<sc_vector_subcore>, window_params = [{transform_indices = #map}, {transform_indices = #map}, {transform_indices = #map}]} {
    %mul3A = arith.constant 1 : i32
    %mul3A_0 = arith.muli %arg1, %mul3A : i32
    %add3A = arith.constant 0 : i32
    %add3A_1 = arith.addi %add3A, %mul3A_0 : i32
    %mul3A_2 = arith.constant 16 : i32
    %mul3A_3 = arith.muli %arg0, %mul3A_2 : i32
    %add3A_4 = arith.addi %add3A_1, %mul3A_3 : i32
    %mul3A_5 = arith.constant 8 : i32
    %mul3A_6 = arith.muli %add3A_4, %mul3A_5 : i32
    "tpu.region"() ({
      %run_scoped3A = memref.alloca() : memref<2x64x20xi32, #tpu.memory_space<vmem>>
      %run_scoped3A_7 = tpu.sem_alloc : memref<2x!tpu.dma_semaphore, #tpu.memory_space<semaphore_mem>>
      %run_scoped3A_8 = memref.alloca() : memref<2x64x32xf32, #tpu.memory_space<vmem>>
      %run_scoped3A_9 = tpu.sem_alloc : memref<2x!tpu.dma_semaphore, #tpu.memory_space<semaphore_mem>>
      %add3A_10 = arith.constant 0 : i32
      %add3A_11 = arith.addi %add3A_10, %mul3A_6 : i32
      %select_n3A = arith.constant true
      %select_n3A_12 = arith.constant 0 : i32
      %select_n3A_13 = arith.constant -1 : i32
      %select_n3A_14 = arith.select %select_n3A, %select_n3A_13, %select_n3A_12 : i32
      %eq3A = arith.constant -1 : i32
      %eq3A_15 = arith.cmpi eq, %select_n3A_14, %eq3A : i32
      %select_n3A_16 = arith.constant 7 : i32
      %select_n3A_17 = arith.select %eq3A_15, %select_n3A_16, %select_n3A_14 : i32
      %add3A_18 = arith.addi %select_n3A_17, %mul3A_6 : i32
      %select_n3A_19 = arith.constant true
      %select_n3A_20 = arith.constant 0 : i32
      %select_n3A_21 = arith.constant 1 : i32
      %select_n3A_22 = arith.select %select_n3A_19, %select_n3A_21, %select_n3A_20 : i32
      %eq3A_23 = arith.constant 8 : i32
      %eq3A_24 = arith.cmpi eq, %select_n3A_22, %eq3A_23 : i32
      %select_n3A_25 = arith.constant 0 : i32
      %select_n3A_26 = arith.select %eq3A_24, %select_n3A_25, %select_n3A_22 : i32
      %add3A_27 = arith.addi %select_n3A_26, %mul3A_6 : i32
      %add3A_28 = arith.constant 1 : i32
      %add3A_29 = arith.addi %select_n3A_26, %add3A_28 : i32
      %select_n3A_30 = arith.constant true
      %select_n3A_31 = arith.select %select_n3A_30, %add3A_29, %select_n3A_26 : i32
      %eq3A_32 = arith.constant 8 : i32
      %eq3A_33 = arith.cmpi eq, %select_n3A_31, %eq3A_32 : i32
      %select_n3A_34 = arith.constant 0 : i32
      %select_n3A_35 = arith.select %eq3A_33, %select_n3A_34, %select_n3A_31 : i32
      %add3A_36 = arith.addi %select_n3A_35, %mul3A_6 : i32
      "tpu.trace_start"() <{level = 10 : i32, message = "ep_initialize_0"}> : () -> ()
      %rem3A = arith.constant 0 : i32
      %rem3A_37 = arith.constant 2 : i32
      %rem3A_38 = arith.remui %rem3A, %rem3A_37 : i32
      %mul3A_39 = arith.constant 64 : i32
      %mul3A_40 = arith.muli %mul3A_39, %add3A_11 : i32
      %dma_start3A = arith.constant 0 : i32
      %dma_start3A_41 = arith.constant 0 : i32
      %dma_start3A_42 = tpu.memref_slice %run_scoped3A[%rem3A_38, %dma_start3A, %dma_start3A_41] : memref<2x64x20xi32, #tpu.memory_space<vmem>> -> memref<1x64x20xi32, #tpu.memory_space<vmem>>
      %dma_start3A_43 = tpu.memref_squeeze %dma_start3A_42 : memref<1x64x20xi32, #tpu.memory_space<vmem>> -> memref<64x20xi32, #tpu.memory_space<vmem>>
      %dma_start3A_44 = arith.constant 0 : i32
      %dma_start3A_45 = tpu.memref_slice %arg3[%mul3A_40, %dma_start3A_44] : memref<16384x20xi32, #tpu.memory_space<hbm>> -> memref<64x20xi32, #tpu.memory_space<hbm>>
      %dma_start3A_46 = tpu.memref_slice %run_scoped3A_7[%rem3A_38] : memref<2x!tpu.dma_semaphore, #tpu.memory_space<semaphore_mem>> -> memref<1x!tpu.dma_semaphore, #tpu.memory_space<semaphore_mem>>
      %dma_start3A_47 = tpu.memref_squeeze %dma_start3A_46 : memref<1x!tpu.dma_semaphore, #tpu.memory_space<semaphore_mem>> -> memref<!tpu.dma_semaphore, #tpu.memory_space<semaphore_mem>>
      %dma_start3A_48 = arith.constant 0 : i32
      %dma_start3A_49 = arith.constant 0 : i32
      %dma_start3A_50 = tpu.memref_slice %run_scoped3A[%rem3A_38, %dma_start3A_48, %dma_start3A_49] : memref<2x64x20xi32, #tpu.memory_space<vmem>> -> memref<1x64x20xi32, #tpu.memory_space<vmem>>
      %dma_start3A_51 = tpu.memref_squeeze %dma_start3A_50 : memref<1x64x20xi32, #tpu.memory_space<vmem>> -> memref<64x20xi32, #tpu.memory_space<vmem>>
      %dma_start3A_52 = arith.constant 0 : i32
      %dma_start3A_53 = tpu.memref_slice %arg3[%mul3A_40, %dma_start3A_52] : memref<16384x20xi32, #tpu.memory_space<hbm>> -> memref<64x20xi32, #tpu.memory_space<hbm>>
      tpu.enqueue_dma source(%dma_start3A_53 : memref<64x20xi32, #tpu.memory_space<hbm>>) target(%dma_start3A_51 : memref<64x20xi32, #tpu.memory_space<vmem>>) target_semaphore(%dma_start3A_47 : memref<!tpu.dma_semaphore, #tpu.memory_space<semaphore_mem>>)
      %add3A_54 = arith.constant 0 : i32
      %add3A_55 = arith.constant 1 : i32
      %add3A_56 = arith.addi %add3A_54, %add3A_55 : i32
      %select_n3A_57 = arith.constant true
      %select_n3A_58 = arith.constant 0 : i32
      %select_n3A_59 = arith.select %select_n3A_57, %add3A_56, %select_n3A_58 : i32
      "tpu.trace_stop"() : () -> ()
      %scan3A = arith.constant 0 : i32
      %scan3A_60 = arith.constant 0 : i32
      %scan3A_61 = arith.constant 0 : i32
      %scan3A_62 = arith.constant 0 : i32
      %scan3A_63 = arith.constant 0 : i32
      %scan3A_64 = arith.constant 8 : i32
      %scan3A_65 = arith.addi %scan3A_63, %scan3A_64 : i32
      %scan3A_66 = arith.constant 1 : i32
      %scan3A_67:5 = scf.for %scan3A_121 = %scan3A_63 to %scan3A_65 step %scan3A_66 iter_args(%scan3A_122 = %select_n3A_59, %scan3A_123 = %scan3A, %scan3A_124 = %scan3A_60, %scan3A_125 = %scan3A_61, %scan3A_126 = %scan3A_62) -> (i32, i32, i32, i32, i32)  : i32 {
        %eq3A_127 = arith.constant 0 : i32
        %eq3A_128 = arith.cmpi eq, %scan3A_121, %eq3A_127 : i32
        %eq3A_129 = arith.constant 7 : i32
        %eq3A_130 = arith.cmpi eq, %scan3A_121, %eq3A_129 : i32
        %add3A_131 = arith.addi %scan3A_126, %mul3A_6 : i32
        %sub3A_132 = arith.constant 1 : i32
        %sub3A_133 = arith.subi %scan3A_126, %sub3A_132 : i32
        %select_n3A_134 = arith.constant true
        %select_n3A_135 = arith.select %select_n3A_134, %sub3A_133, %scan3A_126 : i32
        %eq3A_136 = arith.constant -1 : i32
        %eq3A_137 = arith.cmpi eq, %select_n3A_135, %eq3A_136 : i32
        %select_n3A_138 = arith.constant 7 : i32
        %select_n3A_139 = arith.select %eq3A_137, %select_n3A_138, %select_n3A_135 : i32
        %add3A_140 = arith.addi %select_n3A_139, %mul3A_6 : i32
        %add3A_141 = arith.constant 1 : i32
        %add3A_142 = arith.addi %scan3A_126, %add3A_141 : i32
        %select_n3A_143 = arith.constant true
        %select_n3A_144 = arith.select %select_n3A_143, %add3A_142, %scan3A_126 : i32
        %eq3A_145 = arith.constant 8 : i32
        %eq3A_146 = arith.cmpi eq, %select_n3A_144, %eq3A_145 : i32
        %select_n3A_147 = arith.constant 0 : i32
        %select_n3A_148 = arith.select %eq3A_146, %select_n3A_147, %select_n3A_144 : i32
        %add3A_149 = arith.addi %select_n3A_148, %mul3A_6 : i32
        %add3A_150 = arith.constant 1 : i32
        %add3A_151 = arith.addi %select_n3A_148, %add3A_150 : i32
        %select_n3A_152 = arith.constant true
        %select_n3A_153 = arith.select %select_n3A_152, %add3A_151, %select_n3A_148 : i32
        %eq3A_154 = arith.constant 8 : i32
        %eq3A_155 = arith.cmpi eq, %select_n3A_153, %eq3A_154 : i32
        %select_n3A_156 = arith.constant 0 : i32
        %select_n3A_157 = arith.select %eq3A_155, %select_n3A_156, %select_n3A_153 : i32
        %add3A_158 = arith.addi %select_n3A_157, %mul3A_6 : i32
        %ne3A = arith.cmpi ne, %add3A_131, %add3A_149 : i32
        %or3A = arith.constant false
        %or3A_159 = arith.ori %or3A, %ne3A : i1
        %or3A_160 = arith.constant false
        %or3A_161 = arith.ori %or3A_159, %or3A_160 : i1
        %ge3A = arith.constant 7 : i32
        %ge3A_162 = arith.cmpi sge, %scan3A_121, %ge3A : i32
        %not3A = arith.constant true
        %not3A_163 = arith.xori %ge3A_162, %not3A : i1
        %and3A = arith.andi %or3A_161, %not3A_163 : i1
        %convert_element_type3A = arith.extui %and3A : i1 to i32
        %cond3A = arith.constant 0 : i32
        %cond3A_164 = arith.cmpi ne, %convert_element_type3A, %cond3A : i32
        scf.if %cond3A_164 {
          "tpu.trace_start"() <{level = 10 : i32, message = "ep_copy_in"}> : () -> ()
          %rem3A_289 = arith.constant 2 : i32
          %rem3A_290 = arith.remui %scan3A_122, %rem3A_289 : i32
          %mul3A_291 = arith.constant 64 : i32
          %mul3A_292 = arith.muli %mul3A_291, %add3A_149 : i32
          %dma_start3A_293 = arith.constant 0 : i32
          %dma_start3A_294 = arith.constant 0 : i32
          %dma_start3A_295 = tpu.memref_slice %run_scoped3A[%rem3A_290, %dma_start3A_293, %dma_start3A_294] : memref<2x64x20xi32, #tpu.memory_space<vmem>> -> memref<1x64x20xi32, #tpu.memory_space<vmem>>
          %dma_start3A_296 = tpu.memref_squeeze %dma_start3A_295 : memref<1x64x20xi32, #tpu.memory_space<vmem>> -> memref<64x20xi32, #tpu.memory_space<vmem>>
          %dma_start3A_297 = arith.constant 0 : i32
          %dma_start3A_298 = tpu.memref_slice %arg3[%mul3A_292, %dma_start3A_297] : memref<16384x20xi32, #tpu.memory_space<hbm>> -> memref<64x20xi32, #tpu.memory_space<hbm>>
          %dma_start3A_299 = tpu.memref_slice %run_scoped3A_7[%rem3A_290] : memref<2x!tpu.dma_semaphore, #tpu.memory_space<semaphore_mem>> -> memref<1x!tpu.dma_semaphore, #tpu.memory_space<semaphore_mem>>
          %dma_start3A_300 = tpu.memref_squeeze %dma_start3A_299 : memref<1x!tpu.dma_semaphore, #tpu.memory_space<semaphore_mem>> -> memref<!tpu.dma_semaphore, #tpu.memory_space<semaphore_mem>>
          %dma_start3A_301 = arith.constant 0 : i32
          %dma_start3A_302 = arith.constant 0 : i32
          %dma_start3A_303 = tpu.memref_slice %run_scoped3A[%rem3A_290, %dma_start3A_301, %dma_start3A_302] : memref<2x64x20xi32, #tpu.memory_space<vmem>> -> memref<1x64x20xi32, #tpu.memory_space<vmem>>
          %dma_start3A_304 = tpu.memref_squeeze %dma_start3A_303 : memref<1x64x20xi32, #tpu.memory_space<vmem>> -> memref<64x20xi32, #tpu.memory_space<vmem>>
          %dma_start3A_305 = arith.constant 0 : i32
          %dma_start3A_306 = tpu.memref_slice %arg3[%mul3A_292, %dma_start3A_305] : memref<16384x20xi32, #tpu.memory_space<hbm>> -> memref<64x20xi32, #tpu.memory_space<hbm>>
          tpu.enqueue_dma source(%dma_start3A_306 : memref<64x20xi32, #tpu.memory_space<hbm>>) target(%dma_start3A_304 : memref<64x20xi32, #tpu.memory_space<vmem>>) target_semaphore(%dma_start3A_300 : memref<!tpu.dma_semaphore, #tpu.memory_space<semaphore_mem>>)
          "tpu.trace_stop"() : () -> ()
        } else {
        }
        %and3A_165 = arith.constant true
        %and3A_166 = arith.andi %and3A, %and3A_165 : i1
        %add3A_167 = arith.constant 1 : i32
        %add3A_168 = arith.addi %scan3A_122, %add3A_167 : i32
        %select_n3A_169 = arith.select %and3A_166, %add3A_168, %scan3A_122 : i32
        %ne3A_170 = arith.cmpi ne, %add3A_131, %add3A_149 : i32
        %or3A_171 = arith.constant false
        %or3A_172 = arith.ori %or3A_171, %ne3A_170 : i1
        %or3A_173 = arith.constant false
        %or3A_174 = arith.ori %or3A_172, %or3A_173 : i1
        %ge3A_175 = arith.constant 7 : i32
        %ge3A_176 = arith.cmpi sge, %scan3A_121, %ge3A_175 : i32
        %not3A_177 = arith.constant true
        %not3A_178 = arith.xori %ge3A_176, %not3A_177 : i1
        %and3A_179 = arith.andi %or3A_174, %not3A_178 : i1
        %ne3A_180 = arith.cmpi ne, %add3A_131, %add3A_140 : i32
        %or3A_181 = arith.constant false
        %or3A_182 = arith.ori %or3A_181, %ne3A_180 : i1
        %or3A_183 = arith.constant false
        %or3A_184 = arith.ori %or3A_182, %or3A_183 : i1
        %or3A_185 = arith.ori %or3A_184, %eq3A_128 : i1
        %convert_element_type3A_186 = arith.extui %or3A_185 : i1 to i32
        %cond3A_187 = arith.constant 0 : i32
        %cond3A_188 = arith.cmpi ne, %convert_element_type3A_186, %cond3A_187 : i32
        scf.if %cond3A_188 {
          "tpu.trace_start"() <{level = 10 : i32, message = "ep_wait_in"}> : () -> ()
          %mul3A_289 = arith.constant 64 : i32
          %mul3A_290 = arith.muli %mul3A_289, %add3A_131 : i32
          %rem3A_291 = arith.constant 2 : i32
          %rem3A_292 = arith.remui %scan3A_123, %rem3A_291 : i32
          %dma_wait3A_293 = arith.constant 0 : i32
          %dma_wait3A_294 = arith.constant 0 : i32
          %dma_wait3A_295 = tpu.memref_slice %run_scoped3A[%rem3A_292, %dma_wait3A_293, %dma_wait3A_294] : memref<2x64x20xi32, #tpu.memory_space<vmem>> -> memref<1x64x20xi32, #tpu.memory_space<vmem>>
          %dma_wait3A_296 = tpu.memref_squeeze %dma_wait3A_295 : memref<1x64x20xi32, #tpu.memory_space<vmem>> -> memref<64x20xi32, #tpu.memory_space<vmem>>
          %dma_wait3A_297 = arith.constant 0 : i32
          %dma_wait3A_298 = tpu.memref_slice %arg3[%mul3A_290, %dma_wait3A_297] : memref<16384x20xi32, #tpu.memory_space<hbm>> -> memref<64x20xi32, #tpu.memory_space<hbm>>
          %dma_wait3A_299 = tpu.memref_slice %run_scoped3A_7[%rem3A_292] : memref<2x!tpu.dma_semaphore, #tpu.memory_space<semaphore_mem>> -> memref<1x!tpu.dma_semaphore, #tpu.memory_space<semaphore_mem>>
          %dma_wait3A_300 = tpu.memref_squeeze %dma_wait3A_299 : memref<1x!tpu.dma_semaphore, #tpu.memory_space<semaphore_mem>> -> memref<!tpu.dma_semaphore, #tpu.memory_space<semaphore_mem>>
          %dma_wait3A_301 = arith.constant 0 : i32
          %dma_wait3A_302 = arith.constant 0 : i32
          %dma_wait3A_303 = tpu.memref_slice %run_scoped3A[%rem3A_292, %dma_wait3A_301, %dma_wait3A_302] : memref<2x64x20xi32, #tpu.memory_space<vmem>> -> memref<1x64x20xi32, #tpu.memory_space<vmem>>
          %dma_wait3A_304 = tpu.memref_squeeze %dma_wait3A_303 : memref<1x64x20xi32, #tpu.memory_space<vmem>> -> memref<64x20xi32, #tpu.memory_space<vmem>>
          %dma_wait3A_305 = arith.constant 0 : i32
          %dma_wait3A_306 = tpu.memref_slice %arg3[%mul3A_290, %dma_wait3A_305] : memref<16384x20xi32, #tpu.memory_space<hbm>> -> memref<64x20xi32, #tpu.memory_space<hbm>>
          tpu.wait_dma2 semaphore(%dma_wait3A_300 : memref<!tpu.dma_semaphore, #tpu.memory_space<semaphore_mem>>) src(%dma_wait3A_306 : memref<64x20xi32, #tpu.memory_space<hbm>>) dst(%dma_wait3A_304 : memref<64x20xi32, #tpu.memory_space<vmem>>)
          "tpu.trace_stop"() : () -> ()
        } else {
        }
        %ne3A_189 = arith.cmpi ne, %add3A_131, %add3A_140 : i32
        %or3A_190 = arith.constant false
        %or3A_191 = arith.ori %or3A_190, %ne3A_189 : i1
        %or3A_192 = arith.constant false
        %or3A_193 = arith.ori %or3A_191, %or3A_192 : i1
        %or3A_194 = arith.ori %or3A_193, %eq3A_128 : i1
        %convert_element_type3A_195 = arith.extui %or3A_194 : i1 to i32
        %cond3A_196 = arith.constant 0 : i32
        %cond3A_197 = arith.cmpi ne, %convert_element_type3A_195, %cond3A_196 : i32
        scf.if %cond3A_197 {
        } else {
        }
        %rem3A_198 = arith.constant 2 : i32
        %rem3A_199 = arith.remui %scan3A_123, %rem3A_198 : i32
        %rem3A_200 = arith.constant 2 : i32
        %rem3A_201 = arith.remui %scan3A_124, %rem3A_200 : i32
        "tpu.trace_start"() <{level = 10 : i32, message = "ep_run_kernel"}> : () -> ()
        %scan3A_202 = arith.constant 0 : i32
        %scan3A_203 = arith.constant 64 : i32
        %scan3A_204 = arith.addi %scan3A_202, %scan3A_203 : i32
        %scan3A_205 = arith.constant 1 : i32
        scf.for %scan3A_289 = %scan3A_202 to %scan3A_204 step %scan3A_205  : i32 {
          %mul3A_290 = arith.constant 1 : i32
          %mul3A_291 = arith.muli %scan3A_289, %mul3A_290 : i32
          %add3A_292 = arith.constant 0 : i32
          %add3A_293 = arith.addi %add3A_292, %mul3A_291 : i32
          %mul3A_294 = arith.constant 20 : i32
          %mul3A_295 = arith.muli %add3A_293, %mul3A_294 : i32
          %dma_start3A_296 = arith.constant 0 : i32
          %dma_start3A_297 = tpu.memref_slice %arg5[%mul3A_295, %dma_start3A_296] : memref<1280x32xf32, #tpu.memory_space<vmem>> -> memref<20x32xf32, #tpu.memory_space<vmem>>
          %dma_start3A_298 = arith.constant 0 : i32
          %dma_start3A_299 = arith.constant 0 : i32
          %dma_start3A_300 = tpu.memref_slice %run_scoped3A[%rem3A_199, %dma_start3A_298, %dma_start3A_299] : memref<2x64x20xi32, #tpu.memory_space<vmem>> -> memref<1x64x20xi32, #tpu.memory_space<vmem>>
          %dma_start3A_301 = tpu.memref_squeeze %dma_start3A_300 : memref<1x64x20xi32, #tpu.memory_space<vmem>> -> memref<64x20xi32, #tpu.memory_space<vmem>>
          %dma_start3A_302 = arith.constant 0 : i32
          %dma_start3A_303 = tpu.memref_slice %dma_start3A_301[%add3A_293, %dma_start3A_302] : memref<64x20xi32, #tpu.memory_space<vmem>> -> memref<1x20xi32, #tpu.memory_space<vmem>>
          %dma_start3A_304 = tpu.memref_squeeze %dma_start3A_303 : memref<1x20xi32, #tpu.memory_space<vmem>> -> memref<20xi32, #tpu.memory_space<vmem>>
          %dma_start3A_305 = arith.constant 0 : i32
          %dma_start3A_306 = arith.constant 0 : i32
          %dma_start3A_307 = tpu.memref_slice %arg2[%dma_start3A_305, %dma_start3A_306] : memref<1000000x32xf32, #tpu.memory_space<hbm>> -> memref<1000000x32xf32, #tpu.memory_space<hbm>>
          tpu.enqueue_indirect_dma source(%dma_start3A_307 : memref<1000000x32xf32, #tpu.memory_space<hbm>>) target(%dma_start3A_297 : memref<20x32xf32, #tpu.memory_space<vmem>>) offsets(%dma_start3A_304 : memref<20xi32, #tpu.memory_space<vmem>>) semaphore(%arg6 : memref<!tpu.dma_semaphore, #tpu.memory_space<semaphore_mem>>)
        }
        %scan3A_206 = arith.constant 64 : i32
        %dma_wait3A_207 = arith.constant 0 : i32
        %dma_wait3A_208 = arith.constant 0 : i32
        %dma_wait3A_209 = tpu.memref_slice %arg2[%dma_wait3A_207, %dma_wait3A_208] : memref<1000000x32xf32, #tpu.memory_space<hbm>> -> memref<1280x32xf32, #tpu.memory_space<hbm>>
        %dma_wait3A_210 = arith.constant 0 : i32
        %dma_wait3A_211 = arith.constant 0 : i32
        %dma_wait3A_212 = tpu.memref_slice %arg2[%dma_wait3A_210, %dma_wait3A_211] : memref<1000000x32xf32, #tpu.memory_space<hbm>> -> memref<1280x32xf32, #tpu.memory_space<hbm>>
        tpu.wait_dma2 semaphore(%arg6 : memref<!tpu.dma_semaphore, #tpu.memory_space<semaphore_mem>>) src(%dma_wait3A_212 : memref<1280x32xf32, #tpu.memory_space<hbm>>) dst(%arg5 : memref<1280x32xf32, #tpu.memory_space<vmem>>)
        %scan3A_213 = arith.constant 0 : i32
        %scan3A_214 = arith.constant 64 : i32
        %scan3A_215 = arith.addi %scan3A_213, %scan3A_214 : i32
        %scan3A_216 = arith.constant 1 : i32
        scf.for %scan3A_289 = %scan3A_213 to %scan3A_215 step %scan3A_216  : i32 {
          %mul3A_290 = arith.constant 1 : i32
          %mul3A_291 = arith.muli %scan3A_289, %mul3A_290 : i32
          %add3A_292 = arith.constant 0 : i32
          %add3A_293 = arith.addi %add3A_292, %mul3A_291 : i32
          %mul3A_294 = arith.constant 20 : i32
          %mul3A_295 = arith.muli %add3A_293, %mul3A_294 : i32
          %get3A = arith.index_cast %mul3A_295 : i32 to index
          %get3A_296 = arith.constant 0 : index
          %get3A_297 = tpu.vector_load %arg5[%get3A, %get3A_296] {strides = array<i32>} : memref<1280x32xf32, #tpu.memory_space<vmem>>, vector<1x16xf32>,
          %get3A_298 = vector.shape_cast %get3A_297 : vector<1x16xf32> to vector<16xf32>
          %get3A_299 = arith.index_cast %mul3A_295 : i32 to index
          %get3A_300 = arith.constant 16 : index
          %get3A_301 = tpu.vector_load %arg5[%get3A_299, %get3A_300] {strides = array<i32>} : memref<1280x32xf32, #tpu.memory_space<vmem>>, vector<1x16xf32>,
          %get3A_302 = vector.shape_cast %get3A_301 : vector<1x16xf32> to vector<16xf32>
          %add3A_303 = arith.constant 1 : i32
          %add3A_304 = arith.addi %mul3A_295, %add3A_303 : i32
          %get3A_305 = arith.index_cast %add3A_304 : i32 to index
          %get3A_306 = arith.constant 0 : index
          %get3A_307 = tpu.vector_load %arg5[%get3A_305, %get3A_306] {strides = array<i32>} : memref<1280x32xf32, #tpu.memory_space<vmem>>, vector<1x16xf32>,
          %get3A_308 = vector.shape_cast %get3A_307 : vector<1x16xf32> to vector<16xf32>
          %add3A_309 = arith.addf %get3A_298, %get3A_308 : vector<16xf32>
          %add3A_310 = arith.constant 1 : i32
          %add3A_311 = arith.addi %mul3A_295, %add3A_310 : i32
          %get3A_312 = arith.index_cast %add3A_311 : i32 to index
          %get3A_313 = arith.constant 16 : index
          %get3A_314 = tpu.vector_load %arg5[%get3A_312, %get3A_313] {strides = array<i32>} : memref<1280x32xf32, #tpu.memory_space<vmem>>, vector<1x16xf32>,
          %get3A_315 = vector.shape_cast %get3A_314 : vector<1x16xf32> to vector<16xf32>
          %add3A_316 = arith.addf %get3A_302, %get3A_315 : vector<16xf32>
          %add3A_317 = arith.constant 2 : i32
          %add3A_318 = arith.addi %mul3A_295, %add3A_317 : i32
          %get3A_319 = arith.index_cast %add3A_318 : i32 to index
          %get3A_320 = arith.constant 0 : index
          %get3A_321 = tpu.vector_load %arg5[%get3A_319, %get3A_320] {strides = array<i32>} : memref<1280x32xf32, #tpu.memory_space<vmem>>, vector<1x16xf32>,
          %get3A_322 = vector.shape_cast %get3A_321 : vector<1x16xf32> to vector<16xf32>
          %add3A_323 = arith.addf %add3A_309, %get3A_322 : vector<16xf32>
          %add3A_324 = arith.constant 2 : i32
          %add3A_325 = arith.addi %mul3A_295, %add3A_324 : i32
          %get3A_326 = arith.index_cast %add3A_325 : i32 to index
          %get3A_327 = arith.constant 16 : index
          %get3A_328 = tpu.vector_load %arg5[%get3A_326, %get3A_327] {strides = array<i32>} : memref<1280x32xf32, #tpu.memory_space<vmem>>, vector<1x16xf32>,
          %get3A_329 = vector.shape_cast %get3A_328 : vector<1x16xf32> to vector<16xf32>
          %add3A_330 = arith.addf %add3A_316, %get3A_329 : vector<16xf32>
          %add3A_331 = arith.constant 3 : i32
          %add3A_332 = arith.addi %mul3A_295, %add3A_331 : i32
          %get3A_333 = arith.index_cast %add3A_332 : i32 to index
          %get3A_334 = arith.constant 0 : index
          %get3A_335 = tpu.vector_load %arg5[%get3A_333, %get3A_334] {strides = array<i32>} : memref<1280x32xf32, #tpu.memory_space<vmem>>, vector<1x16xf32>,
          %get3A_336 = vector.shape_cast %get3A_335 : vector<1x16xf32> to vector<16xf32>
          %add3A_337 = arith.addf %add3A_323, %get3A_336 : vector<16xf32>
          %add3A_338 = arith.constant 3 : i32
          %add3A_339 = arith.addi %mul3A_295, %add3A_338 : i32
          %get3A_340 = arith.index_cast %add3A_339 : i32 to index
          %get3A_341 = arith.constant 16 : index
          %get3A_342 = tpu.vector_load %arg5[%get3A_340, %get3A_341] {strides = array<i32>} : memref<1280x32xf32, #tpu.memory_space<vmem>>, vector<1x16xf32>,
          %get3A_343 = vector.shape_cast %get3A_342 : vector<1x16xf32> to vector<16xf32>
          %add3A_344 = arith.addf %add3A_330, %get3A_343 : vector<16xf32>
          %add3A_345 = arith.constant 4 : i32
          %add3A_346 = arith.addi %mul3A_295, %add3A_345 : i32
          %get3A_347 = arith.index_cast %add3A_346 : i32 to index
          %get3A_348 = arith.constant 0 : index
          %get3A_349 = tpu.vector_load %arg5[%get3A_347, %get3A_348] {strides = array<i32>} : memref<1280x32xf32, #tpu.memory_space<vmem>>, vector<1x16xf32>,
          %get3A_350 = vector.shape_cast %get3A_349 : vector<1x16xf32> to vector<16xf32>
          %add3A_351 = arith.addf %add3A_337, %get3A_350 : vector<16xf32>
          %add3A_352 = arith.constant 4 : i32
          %add3A_353 = arith.addi %mul3A_295, %add3A_352 : i32
          %get3A_354 = arith.index_cast %add3A_353 : i32 to index
          %get3A_355 = arith.constant 16 : index
          %get3A_356 = tpu.vector_load %arg5[%get3A_354, %get3A_355] {strides = array<i32>} : memref<1280x32xf32, #tpu.memory_space<vmem>>, vector<1x16xf32>,
          %get3A_357 = vector.shape_cast %get3A_356 : vector<1x16xf32> to vector<16xf32>
          %add3A_358 = arith.addf %add3A_344, %get3A_357 : vector<16xf32>
          %add3A_359 = arith.constant 5 : i32
          %add3A_360 = arith.addi %mul3A_295, %add3A_359 : i32
          %get3A_361 = arith.index_cast %add3A_360 : i32 to index
          %get3A_362 = arith.constant 0 : index
          %get3A_363 = tpu.vector_load %arg5[%get3A_361, %get3A_362] {strides = array<i32>} : memref<1280x32xf32, #tpu.memory_space<vmem>>, vector<1x16xf32>,
          %get3A_364 = vector.shape_cast %get3A_363 : vector<1x16xf32> to vector<16xf32>
          %add3A_365 = arith.addf %add3A_351, %get3A_364 : vector<16xf32>
          %add3A_366 = arith.constant 5 : i32
          %add3A_367 = arith.addi %mul3A_295, %add3A_366 : i32
          %get3A_368 = arith.index_cast %add3A_367 : i32 to index
          %get3A_369 = arith.constant 16 : index
          %get3A_370 = tpu.vector_load %arg5[%get3A_368, %get3A_369] {strides = array<i32>} : memref<1280x32xf32, #tpu.memory_space<vmem>>, vector<1x16xf32>,
          %get3A_371 = vector.shape_cast %get3A_370 : vector<1x16xf32> to vector<16xf32>
          %add3A_372 = arith.addf %add3A_358, %get3A_371 : vector<16xf32>
          %add3A_373 = arith.constant 6 : i32
          %add3A_374 = arith.addi %mul3A_295, %add3A_373 : i32
          %get3A_375 = arith.index_cast %add3A_374 : i32 to index
          %get3A_376 = arith.constant 0 : index
          %get3A_377 = tpu.vector_load %arg5[%get3A_375, %get3A_376] {strides = array<i32>} : memref<1280x32xf32, #tpu.memory_space<vmem>>, vector<1x16xf32>,
          %get3A_378 = vector.shape_cast %get3A_377 : vector<1x16xf32> to vector<16xf32>
          %add3A_379 = arith.addf %add3A_365, %get3A_378 : vector<16xf32>
          %add3A_380 = arith.constant 6 : i32
          %add3A_381 = arith.addi %mul3A_295, %add3A_380 : i32
          %get3A_382 = arith.index_cast %add3A_381 : i32 to index
          %get3A_383 = arith.constant 16 : index
          %get3A_384 = tpu.vector_load %arg5[%get3A_382, %get3A_383] {strides = array<i32>} : memref<1280x32xf32, #tpu.memory_space<vmem>>, vector<1x16xf32>,
          %get3A_385 = vector.shape_cast %get3A_384 : vector<1x16xf32> to vector<16xf32>
          %add3A_386 = arith.addf %add3A_372, %get3A_385 : vector<16xf32>
          %add3A_387 = arith.constant 7 : i32
          %add3A_388 = arith.addi %mul3A_295, %add3A_387 : i32
          %get3A_389 = arith.index_cast %add3A_388 : i32 to index
          %get3A_390 = arith.constant 0 : index
          %get3A_391 = tpu.vector_load %arg5[%get3A_389, %get3A_390] {strides = array<i32>} : memref<1280x32xf32, #tpu.memory_space<vmem>>, vector<1x16xf32>,
          %get3A_392 = vector.shape_cast %get3A_391 : vector<1x16xf32> to vector<16xf32>
          %add3A_393 = arith.addf %add3A_379, %get3A_392 : vector<16xf32>
          %add3A_394 = arith.constant 7 : i32
          %add3A_395 = arith.addi %mul3A_295, %add3A_394 : i32
          %get3A_396 = arith.index_cast %add3A_395 : i32 to index
          %get3A_397 = arith.constant 16 : index
          %get3A_398 = tpu.vector_load %arg5[%get3A_396, %get3A_397] {strides = array<i32>} : memref<1280x32xf32, #tpu.memory_space<vmem>>, vector<1x16xf32>,
          %get3A_399 = vector.shape_cast %get3A_398 : vector<1x16xf32> to vector<16xf32>
          %add3A_400 = arith.addf %add3A_386, %get3A_399 : vector<16xf32>
          %add3A_401 = arith.constant 8 : i32
          %add3A_402 = arith.addi %mul3A_295, %add3A_401 : i32
          %get3A_403 = arith.index_cast %add3A_402 : i32 to index
          %get3A_404 = arith.constant 0 : index
          %get3A_405 = tpu.vector_load %arg5[%get3A_403, %get3A_404] {strides = array<i32>} : memref<1280x32xf32, #tpu.memory_space<vmem>>, vector<1x16xf32>,
          %get3A_406 = vector.shape_cast %get3A_405 : vector<1x16xf32> to vector<16xf32>
          %add3A_407 = arith.addf %add3A_393, %get3A_406 : vector<16xf32>
          %add3A_408 = arith.constant 8 : i32
          %add3A_409 = arith.addi %mul3A_295, %add3A_408 : i32
          %get3A_410 = arith.index_cast %add3A_409 : i32 to index
          %get3A_411 = arith.constant 16 : index
          %get3A_412 = tpu.vector_load %arg5[%get3A_410, %get3A_411] {strides = array<i32>} : memref<1280x32xf32, #tpu.memory_space<vmem>>, vector<1x16xf32>,
          %get3A_413 = vector.shape_cast %get3A_412 : vector<1x16xf32> to vector<16xf32>
          %add3A_414 = arith.addf %add3A_400, %get3A_413 : vector<16xf32>
          %add3A_415 = arith.constant 9 : i32
          %add3A_416 = arith.addi %mul3A_295, %add3A_415 : i32
          %get3A_417 = arith.index_cast %add3A_416 : i32 to index
          %get3A_418 = arith.constant 0 : index
          %get3A_419 = tpu.vector_load %arg5[%get3A_417, %get3A_418] {strides = array<i32>} : memref<1280x32xf32, #tpu.memory_space<vmem>>, vector<1x16xf32>,
          %get3A_420 = vector.shape_cast %get3A_419 : vector<1x16xf32> to vector<16xf32>
          %add3A_421 = arith.addf %add3A_407, %get3A_420 : vector<16xf32>
          %add3A_422 = arith.constant 9 : i32
          %add3A_423 = arith.addi %mul3A_295, %add3A_422 : i32
          %get3A_424 = arith.index_cast %add3A_423 : i32 to index
          %get3A_425 = arith.constant 16 : index
          %get3A_426 = tpu.vector_load %arg5[%get3A_424, %get3A_425] {strides = array<i32>} : memref<1280x32xf32, #tpu.memory_space<vmem>>, vector<1x16xf32>,
          %get3A_427 = vector.shape_cast %get3A_426 : vector<1x16xf32> to vector<16xf32>
          %add3A_428 = arith.addf %add3A_414, %get3A_427 : vector<16xf32>
          %add3A_429 = arith.constant 10 : i32
          %add3A_430 = arith.addi %mul3A_295, %add3A_429 : i32
          %get3A_431 = arith.index_cast %add3A_430 : i32 to index
          %get3A_432 = arith.constant 0 : index
          %get3A_433 = tpu.vector_load %arg5[%get3A_431, %get3A_432] {strides = array<i32>} : memref<1280x32xf32, #tpu.memory_space<vmem>>, vector<1x16xf32>,
          %get3A_434 = vector.shape_cast %get3A_433 : vector<1x16xf32> to vector<16xf32>
          %add3A_435 = arith.addf %add3A_421, %get3A_434 : vector<16xf32>
          %add3A_436 = arith.constant 10 : i32
          %add3A_437 = arith.addi %mul3A_295, %add3A_436 : i32
          %get3A_438 = arith.index_cast %add3A_437 : i32 to index
          %get3A_439 = arith.constant 16 : index
          %get3A_440 = tpu.vector_load %arg5[%get3A_438, %get3A_439] {strides = array<i32>} : memref<1280x32xf32, #tpu.memory_space<vmem>>, vector<1x16xf32>,
          %get3A_441 = vector.shape_cast %get3A_440 : vector<1x16xf32> to vector<16xf32>
          %add3A_442 = arith.addf %add3A_428, %get3A_441 : vector<16xf32>
          %add3A_443 = arith.constant 11 : i32
          %add3A_444 = arith.addi %mul3A_295, %add3A_443 : i32
          %get3A_445 = arith.index_cast %add3A_444 : i32 to index
          %get3A_446 = arith.constant 0 : index
          %get3A_447 = tpu.vector_load %arg5[%get3A_445, %get3A_446] {strides = array<i32>} : memref<1280x32xf32, #tpu.memory_space<vmem>>, vector<1x16xf32>,
          %get3A_448 = vector.shape_cast %get3A_447 : vector<1x16xf32> to vector<16xf32>
          %add3A_449 = arith.addf %add3A_435, %get3A_448 : vector<16xf32>
          %add3A_450 = arith.constant 11 : i32
          %add3A_451 = arith.addi %mul3A_295, %add3A_450 : i32
          %get3A_452 = arith.index_cast %add3A_451 : i32 to index
          %get3A_453 = arith.constant 16 : index
          %get3A_454 = tpu.vector_load %arg5[%get3A_452, %get3A_453] {strides = array<i32>} : memref<1280x32xf32, #tpu.memory_space<vmem>>, vector<1x16xf32>,
          %get3A_455 = vector.shape_cast %get3A_454 : vector<1x16xf32> to vector<16xf32>
          %add3A_456 = arith.addf %add3A_442, %get3A_455 : vector<16xf32>
          %add3A_457 = arith.constant 12 : i32
          %add3A_458 = arith.addi %mul3A_295, %add3A_457 : i32
          %get3A_459 = arith.index_cast %add3A_458 : i32 to index
          %get3A_460 = arith.constant 0 : index
          %get3A_461 = tpu.vector_load %arg5[%get3A_459, %get3A_460] {strides = array<i32>} : memref<1280x32xf32, #tpu.memory_space<vmem>>, vector<1x16xf32>,
          %get3A_462 = vector.shape_cast %get3A_461 : vector<1x16xf32> to vector<16xf32>
          %add3A_463 = arith.addf %add3A_449, %get3A_462 : vector<16xf32>
          %add3A_464 = arith.constant 12 : i32
          %add3A_465 = arith.addi %mul3A_295, %add3A_464 : i32
          %get3A_466 = arith.index_cast %add3A_465 : i32 to index
          %get3A_467 = arith.constant 16 : index
          %get3A_468 = tpu.vector_load %arg5[%get3A_466, %get3A_467] {strides = array<i32>} : memref<1280x32xf32, #tpu.memory_space<vmem>>, vector<1x16xf32>,
          %get3A_469 = vector.shape_cast %get3A_468 : vector<1x16xf32> to vector<16xf32>
          %add3A_470 = arith.addf %add3A_456, %get3A_469 : vector<16xf32>
          %add3A_471 = arith.constant 13 : i32
          %add3A_472 = arith.addi %mul3A_295, %add3A_471 : i32
          %get3A_473 = arith.index_cast %add3A_472 : i32 to index
          %get3A_474 = arith.constant 0 : index
          %get3A_475 = tpu.vector_load %arg5[%get3A_473, %get3A_474] {strides = array<i32>} : memref<1280x32xf32, #tpu.memory_space<vmem>>, vector<1x16xf32>,
          %get3A_476 = vector.shape_cast %get3A_475 : vector<1x16xf32> to vector<16xf32>
          %add3A_477 = arith.addf %add3A_463, %get3A_476 : vector<16xf32>
          %add3A_478 = arith.constant 13 : i32
          %add3A_479 = arith.addi %mul3A_295, %add3A_478 : i32
          %get3A_480 = arith.index_cast %add3A_479 : i32 to index
          %get3A_481 = arith.constant 16 : index
          %get3A_482 = tpu.vector_load %arg5[%get3A_480, %get3A_481] {strides = array<i32>} : memref<1280x32xf32, #tpu.memory_space<vmem>>, vector<1x16xf32>,
          %get3A_483 = vector.shape_cast %get3A_482 : vector<1x16xf32> to vector<16xf32>
          %add3A_484 = arith.addf %add3A_470, %get3A_483 : vector<16xf32>
          %add3A_485 = arith.constant 14 : i32
          %add3A_486 = arith.addi %mul3A_295, %add3A_485 : i32
          %get3A_487 = arith.index_cast %add3A_486 : i32 to index
          %get3A_488 = arith.constant 0 : index
          %get3A_489 = tpu.vector_load %arg5[%get3A_487, %get3A_488] {strides = array<i32>} : memref<1280x32xf32, #tpu.memory_space<vmem>>, vector<1x16xf32>,
          %get3A_490 = vector.shape_cast %get3A_489 : vector<1x16xf32> to vector<16xf32>
          %add3A_491 = arith.addf %add3A_477, %get3A_490 : vector<16xf32>
          %add3A_492 = arith.constant 14 : i32
          %add3A_493 = arith.addi %mul3A_295, %add3A_492 : i32
          %get3A_494 = arith.index_cast %add3A_493 : i32 to index
          %get3A_495 = arith.constant 16 : index
          %get3A_496 = tpu.vector_load %arg5[%get3A_494, %get3A_495] {strides = array<i32>} : memref<1280x32xf32, #tpu.memory_space<vmem>>, vector<1x16xf32>,
          %get3A_497 = vector.shape_cast %get3A_496 : vector<1x16xf32> to vector<16xf32>
          %add3A_498 = arith.addf %add3A_484, %get3A_497 : vector<16xf32>
          %add3A_499 = arith.constant 15 : i32
          %add3A_500 = arith.addi %mul3A_295, %add3A_499 : i32
          %get3A_501 = arith.index_cast %add3A_500 : i32 to index
          %get3A_502 = arith.constant 0 : index
          %get3A_503 = tpu.vector_load %arg5[%get3A_501, %get3A_502] {strides = array<i32>} : memref<1280x32xf32, #tpu.memory_space<vmem>>, vector<1x16xf32>,
          %get3A_504 = vector.shape_cast %get3A_503 : vector<1x16xf32> to vector<16xf32>
          %add3A_505 = arith.addf %add3A_491, %get3A_504 : vector<16xf32>
          %add3A_506 = arith.constant 15 : i32
          %add3A_507 = arith.addi %mul3A_295, %add3A_506 : i32
          %get3A_508 = arith.index_cast %add3A_507 : i32 to index
          %get3A_509 = arith.constant 16 : index
          %get3A_510 = tpu.vector_load %arg5[%get3A_508, %get3A_509] {strides = array<i32>} : memref<1280x32xf32, #tpu.memory_space<vmem>>, vector<1x16xf32>,
          %get3A_511 = vector.shape_cast %get3A_510 : vector<1x16xf32> to vector<16xf32>
          %add3A_512 = arith.addf %add3A_498, %get3A_511 : vector<16xf32>
          %add3A_513 = arith.constant 16 : i32
          %add3A_514 = arith.addi %mul3A_295, %add3A_513 : i32
          %get3A_515 = arith.index_cast %add3A_514 : i32 to index
          %get3A_516 = arith.constant 0 : index
          %get3A_517 = tpu.vector_load %arg5[%get3A_515, %get3A_516] {strides = array<i32>} : memref<1280x32xf32, #tpu.memory_space<vmem>>, vector<1x16xf32>,
          %get3A_518 = vector.shape_cast %get3A_517 : vector<1x16xf32> to vector<16xf32>
          %add3A_519 = arith.addf %add3A_505, %get3A_518 : vector<16xf32>
          %add3A_520 = arith.constant 16 : i32
          %add3A_521 = arith.addi %mul3A_295, %add3A_520 : i32
          %get3A_522 = arith.index_cast %add3A_521 : i32 to index
          %get3A_523 = arith.constant 16 : index
          %get3A_524 = tpu.vector_load %arg5[%get3A_522, %get3A_523] {strides = array<i32>} : memref<1280x32xf32, #tpu.memory_space<vmem>>, vector<1x16xf32>,
          %get3A_525 = vector.shape_cast %get3A_524 : vector<1x16xf32> to vector<16xf32>
          %add3A_526 = arith.addf %add3A_512, %get3A_525 : vector<16xf32>
          %add3A_527 = arith.constant 17 : i32
          %add3A_528 = arith.addi %mul3A_295, %add3A_527 : i32
          %get3A_529 = arith.index_cast %add3A_528 : i32 to index
          %get3A_530 = arith.constant 0 : index
          %get3A_531 = tpu.vector_load %arg5[%get3A_529, %get3A_530] {strides = array<i32>} : memref<1280x32xf32, #tpu.memory_space<vmem>>, vector<1x16xf32>,
          %get3A_532 = vector.shape_cast %get3A_531 : vector<1x16xf32> to vector<16xf32>
          %add3A_533 = arith.addf %add3A_519, %get3A_532 : vector<16xf32>
          %add3A_534 = arith.constant 17 : i32
          %add3A_535 = arith.addi %mul3A_295, %add3A_534 : i32
          %get3A_536 = arith.index_cast %add3A_535 : i32 to index
          %get3A_537 = arith.constant 16 : index
          %get3A_538 = tpu.vector_load %arg5[%get3A_536, %get3A_537] {strides = array<i32>} : memref<1280x32xf32, #tpu.memory_space<vmem>>, vector<1x16xf32>,
          %get3A_539 = vector.shape_cast %get3A_538 : vector<1x16xf32> to vector<16xf32>
          %add3A_540 = arith.addf %add3A_526, %get3A_539 : vector<16xf32>
          %add3A_541 = arith.constant 18 : i32
          %add3A_542 = arith.addi %mul3A_295, %add3A_541 : i32
          %get3A_543 = arith.index_cast %add3A_542 : i32 to index
          %get3A_544 = arith.constant 0 : index
          %get3A_545 = tpu.vector_load %arg5[%get3A_543, %get3A_544] {strides = array<i32>} : memref<1280x32xf32, #tpu.memory_space<vmem>>, vector<1x16xf32>,
          %get3A_546 = vector.shape_cast %get3A_545 : vector<1x16xf32> to vector<16xf32>
          %add3A_547 = arith.addf %add3A_533, %get3A_546 : vector<16xf32>
          %add3A_548 = arith.constant 18 : i32
          %add3A_549 = arith.addi %mul3A_295, %add3A_548 : i32
          %get3A_550 = arith.index_cast %add3A_549 : i32 to index
          %get3A_551 = arith.constant 16 : index
          %get3A_552 = tpu.vector_load %arg5[%get3A_550, %get3A_551] {strides = array<i32>} : memref<1280x32xf32, #tpu.memory_space<vmem>>, vector<1x16xf32>,
          %get3A_553 = vector.shape_cast %get3A_552 : vector<1x16xf32> to vector<16xf32>
          %add3A_554 = arith.addf %add3A_540, %get3A_553 : vector<16xf32>
          %add3A_555 = arith.constant 19 : i32
          %add3A_556 = arith.addi %mul3A_295, %add3A_555 : i32
          %get3A_557 = arith.index_cast %add3A_556 : i32 to index
          %get3A_558 = arith.constant 0 : index
          %get3A_559 = tpu.vector_load %arg5[%get3A_557, %get3A_558] {strides = array<i32>} : memref<1280x32xf32, #tpu.memory_space<vmem>>, vector<1x16xf32>,
          %get3A_560 = vector.shape_cast %get3A_559 : vector<1x16xf32> to vector<16xf32>
          %add3A_561 = arith.addf %add3A_547, %get3A_560 : vector<16xf32>
          %add3A_562 = arith.constant 19 : i32
          %add3A_563 = arith.addi %mul3A_295, %add3A_562 : i32
          %get3A_564 = arith.index_cast %add3A_563 : i32 to index
          %get3A_565 = arith.constant 16 : index
          %get3A_566 = tpu.vector_load %arg5[%get3A_564, %get3A_565] {strides = array<i32>} : memref<1280x32xf32, #tpu.memory_space<vmem>>, vector<1x16xf32>,
          %get3A_567 = vector.shape_cast %get3A_566 : vector<1x16xf32> to vector<16xf32>
          %add3A_568 = arith.addf %add3A_554, %get3A_567 : vector<16xf32>
          %swap3A = arith.constant 0 : i32
          %swap3A_569 = arith.constant 0 : i32
          %swap3A_570 = tpu.memref_slice %run_scoped3A_8[%rem3A_201, %swap3A, %swap3A_569] : memref<2x64x32xf32, #tpu.memory_space<vmem>> -> memref<1x64x32xf32, #tpu.memory_space<vmem>>
          %swap3A_571 = tpu.memref_squeeze %swap3A_570 : memref<1x64x32xf32, #tpu.memory_space<vmem>> -> memref<64x32xf32, #tpu.memory_space<vmem>>
          %swap3A_572 = arith.index_cast %add3A_293 : i32 to index
          %swap3A_573 = arith.constant 0 : index
          %swap3A_574 = tpu.vector_load %swap3A_571[%swap3A_572, %swap3A_573] {strides = array<i32>} : memref<64x32xf32, #tpu.memory_space<vmem>>, vector<1x16xf32>,
          %swap3A_575 = vector.shape_cast %swap3A_574 : vector<1x16xf32> to vector<16xf32>
          %swap3A_576 = vector.shape_cast %add3A_561 : vector<16xf32> to vector<1x16xf32>
          tpu.vector_store %swap3A_571[%swap3A_572, %swap3A_573], %swap3A_576 {strides = array<i32>} : memref<64x32xf32, #tpu.memory_space<vmem>>, vector<1x16xf32>,
          %swap3A_577 = arith.constant 0 : i32
          %swap3A_578 = arith.constant 0 : i32
          %swap3A_579 = tpu.memref_slice %run_scoped3A_8[%rem3A_201, %swap3A_577, %swap3A_578] : memref<2x64x32xf32, #tpu.memory_space<vmem>> -> memref<1x64x32xf32, #tpu.memory_space<vmem>>
          %swap3A_580 = tpu.memref_squeeze %swap3A_579 : memref<1x64x32xf32, #tpu.memory_space<vmem>> -> memref<64x32xf32, #tpu.memory_space<vmem>>
          %swap3A_581 = arith.index_cast %add3A_293 : i32 to index
          %swap3A_582 = arith.constant 16 : index
          %swap3A_583 = tpu.vector_load %swap3A_580[%swap3A_581, %swap3A_582] {strides = array<i32>} : memref<64x32xf32, #tpu.memory_space<vmem>>, vector<1x16xf32>,
          %swap3A_584 = vector.shape_cast %swap3A_583 : vector<1x16xf32> to vector<16xf32>
          %swap3A_585 = vector.shape_cast %add3A_568 : vector<16xf32> to vector<1x16xf32>
          tpu.vector_store %swap3A_580[%swap3A_581, %swap3A_582], %swap3A_585 {strides = array<i32>} : memref<64x32xf32, #tpu.memory_space<vmem>>, vector<1x16xf32>,
        }
        %scan3A_217 = arith.constant 64 : i32
        "tpu.trace_stop"() : () -> ()
        %ne3A_218 = arith.cmpi ne, %add3A_131, %add3A_149 : i32
        %or3A_219 = arith.constant false
        %or3A_220 = arith.ori %or3A_219, %ne3A_218 : i1
        %or3A_221 = arith.constant false
        %or3A_222 = arith.ori %or3A_220, %or3A_221 : i1
        %or3A_223 = arith.ori %or3A_222, %eq3A_130 : i1
        %convert_element_type3A_224 = arith.extui %or3A_223 : i1 to i32
        %cond3A_225 = arith.constant 0 : i32
        %cond3A_226 = arith.cmpi ne, %convert_element_type3A_224, %cond3A_225 : i32
        scf.if %cond3A_226 {
        } else {
        }
        %and3A_227 = arith.constant false
        %and3A_228 = arith.andi %or3A_223, %and3A_227 : i1
        %ne3A_229 = arith.cmpi ne, %add3A_131, %add3A_149 : i32
        %or3A_230 = arith.constant false
        %or3A_231 = arith.ori %or3A_230, %ne3A_229 : i1
        %or3A_232 = arith.constant false
        %or3A_233 = arith.ori %or3A_231, %or3A_232 : i1
        %or3A_234 = arith.ori %or3A_233, %eq3A_130 : i1
        %convert_element_type3A_235 = arith.extui %or3A_234 : i1 to i32
        %cond3A_236 = arith.constant 0 : i32
        %cond3A_237 = arith.cmpi ne, %convert_element_type3A_235, %cond3A_236 : i32
        scf.if %cond3A_237 {
          "tpu.trace_start"() <{level = 10 : i32, message = "ep_copy_out"}> : () -> ()
          %rem3A_289 = arith.constant 2 : i32
          %rem3A_290 = arith.remui %scan3A_124, %rem3A_289 : i32
          %mul3A_291 = arith.constant 64 : i32
          %mul3A_292 = arith.muli %mul3A_291, %add3A_131 : i32
          %dma_start3A_293 = arith.constant 0 : i32
          %dma_start3A_294 = arith.constant 0 : i32
          %dma_start3A_295 = tpu.memref_slice %run_scoped3A_8[%rem3A_290, %dma_start3A_293, %dma_start3A_294] : memref<2x64x32xf32, #tpu.memory_space<vmem>> -> memref<1x64x32xf32, #tpu.memory_space<vmem>>
          %dma_start3A_296 = tpu.memref_squeeze %dma_start3A_295 : memref<1x64x32xf32, #tpu.memory_space<vmem>> -> memref<64x32xf32, #tpu.memory_space<vmem>>
          %dma_start3A_297 = arith.constant 0 : i32
          %dma_start3A_298 = tpu.memref_slice %arg4[%mul3A_292, %dma_start3A_297] : memref<16384x32xf32, #tpu.memory_space<hbm>> -> memref<64x32xf32, #tpu.memory_space<hbm>>
          %dma_start3A_299 = tpu.memref_slice %run_scoped3A_9[%rem3A_290] : memref<2x!tpu.dma_semaphore, #tpu.memory_space<semaphore_mem>> -> memref<1x!tpu.dma_semaphore, #tpu.memory_space<semaphore_mem>>
          %dma_start3A_300 = tpu.memref_squeeze %dma_start3A_299 : memref<1x!tpu.dma_semaphore, #tpu.memory_space<semaphore_mem>> -> memref<!tpu.dma_semaphore, #tpu.memory_space<semaphore_mem>>
          %dma_start3A_301 = arith.constant 0 : i32
          %dma_start3A_302 = tpu.memref_slice %arg4[%mul3A_292, %dma_start3A_301] : memref<16384x32xf32, #tpu.memory_space<hbm>> -> memref<64x32xf32, #tpu.memory_space<hbm>>
          %dma_start3A_303 = arith.constant 0 : i32
          %dma_start3A_304 = arith.constant 0 : i32
          %dma_start3A_305 = tpu.memref_slice %run_scoped3A_8[%rem3A_290, %dma_start3A_303, %dma_start3A_304] : memref<2x64x32xf32, #tpu.memory_space<vmem>> -> memref<1x64x32xf32, #tpu.memory_space<vmem>>
          %dma_start3A_306 = tpu.memref_squeeze %dma_start3A_305 : memref<1x64x32xf32, #tpu.memory_space<vmem>> -> memref<64x32xf32, #tpu.memory_space<vmem>>
          tpu.enqueue_dma source(%dma_start3A_306 : memref<64x32xf32, #tpu.memory_space<vmem>>) target(%dma_start3A_302 : memref<64x32xf32, #tpu.memory_space<hbm>>) target_semaphore(%dma_start3A_300 : memref<!tpu.dma_semaphore, #tpu.memory_space<semaphore_mem>>)
          "tpu.trace_stop"() : () -> ()
        } else {
        }
        %and3A_238 = arith.constant true
        %and3A_239 = arith.andi %or3A_234, %and3A_238 : i1
        %add3A_240 = arith.constant 1 : i32
        %add3A_241 = arith.addi %scan3A_124, %add3A_240 : i32
        %select_n3A_242 = arith.select %and3A_239, %add3A_241, %scan3A_124 : i32
        %ne3A_243 = arith.cmpi ne, %add3A_131, %add3A_140 : i32
        %or3A_244 = arith.constant false
        %or3A_245 = arith.ori %or3A_244, %ne3A_243 : i1
        %or3A_246 = arith.constant false
        %or3A_247 = arith.ori %or3A_245, %or3A_246 : i1
        %not3A_248 = arith.constant true
        %not3A_249 = arith.xori %eq3A_128, %not3A_248 : i1
        %and3A_250 = arith.andi %or3A_247, %not3A_249 : i1
        %convert_element_type3A_251 = arith.extui %and3A_250 : i1 to i32
        %cond3A_252 = arith.constant 0 : i32
        %cond3A_253 = arith.cmpi ne, %convert_element_type3A_251, %cond3A_252 : i32
        scf.if %cond3A_253 {
        } else {
        }
        %and3A_254 = arith.constant false
        %and3A_255 = arith.andi %and3A_250, %and3A_254 : i1
        %ne3A_256 = arith.cmpi ne, %add3A_131, %add3A_140 : i32
        %or3A_257 = arith.constant false
        %or3A_258 = arith.ori %or3A_257, %ne3A_256 : i1
        %or3A_259 = arith.constant false
        %or3A_260 = arith.ori %or3A_258, %or3A_259 : i1
        %not3A_261 = arith.constant true
        %not3A_262 = arith.xori %eq3A_128, %not3A_261 : i1
        %and3A_263 = arith.andi %or3A_260, %not3A_262 : i1
        %convert_element_type3A_264 = arith.extui %and3A_263 : i1 to i32
        %cond3A_265 = arith.constant 0 : i32
        %cond3A_266 = arith.cmpi ne, %convert_element_type3A_264, %cond3A_265 : i32
        scf.if %cond3A_266 {
          "tpu.trace_start"() <{level = 10 : i32, message = "ep_wait_out"}> : () -> ()
          %rem3A_289 = arith.constant 2 : i32
          %rem3A_290 = arith.remui %scan3A_125, %rem3A_289 : i32
          %mul3A_291 = arith.constant 64 : i32
          %mul3A_292 = arith.muli %mul3A_291, %add3A_140 : i32
          %dma_wait3A_293 = arith.constant 0 : i32
          %dma_wait3A_294 = arith.constant 0 : i32
          %dma_wait3A_295 = tpu.memref_slice %run_scoped3A_8[%rem3A_290, %dma_wait3A_293, %dma_wait3A_294] : memref<2x64x32xf32, #tpu.memory_space<vmem>> -> memref<1x64x32xf32, #tpu.memory_space<vmem>>
          %dma_wait3A_296 = tpu.memref_squeeze %dma_wait3A_295 : memref<1x64x32xf32, #tpu.memory_space<vmem>> -> memref<64x32xf32, #tpu.memory_space<vmem>>
          %dma_wait3A_297 = arith.constant 0 : i32
          %dma_wait3A_298 = tpu.memref_slice %arg4[%mul3A_292, %dma_wait3A_297] : memref<16384x32xf32, #tpu.memory_space<hbm>> -> memref<64x32xf32, #tpu.memory_space<hbm>>
          %dma_wait3A_299 = tpu.memref_slice %run_scoped3A_9[%rem3A_290] : memref<2x!tpu.dma_semaphore, #tpu.memory_space<semaphore_mem>> -> memref<1x!tpu.dma_semaphore, #tpu.memory_space<semaphore_mem>>
          %dma_wait3A_300 = tpu.memref_squeeze %dma_wait3A_299 : memref<1x!tpu.dma_semaphore, #tpu.memory_space<semaphore_mem>> -> memref<!tpu.dma_semaphore, #tpu.memory_space<semaphore_mem>>
          %dma_wait3A_301 = arith.constant 0 : i32
          %dma_wait3A_302 = tpu.memref_slice %arg4[%mul3A_292, %dma_wait3A_301] : memref<16384x32xf32, #tpu.memory_space<hbm>> -> memref<64x32xf32, #tpu.memory_space<hbm>>
          %dma_wait3A_303 = arith.constant 0 : i32
          %dma_wait3A_304 = arith.constant 0 : i32
          %dma_wait3A_305 = tpu.memref_slice %run_scoped3A_8[%rem3A_290, %dma_wait3A_303, %dma_wait3A_304] : memref<2x64x32xf32, #tpu.memory_space<vmem>> -> memref<1x64x32xf32, #tpu.memory_space<vmem>>
          %dma_wait3A_306 = tpu.memref_squeeze %dma_wait3A_305 : memref<1x64x32xf32, #tpu.memory_space<vmem>> -> memref<64x32xf32, #tpu.memory_space<vmem>>
          tpu.wait_dma2 semaphore(%dma_wait3A_300 : memref<!tpu.dma_semaphore, #tpu.memory_space<semaphore_mem>>) src(%dma_wait3A_306 : memref<64x32xf32, #tpu.memory_space<vmem>>) dst(%dma_wait3A_302 : memref<64x32xf32, #tpu.memory_space<hbm>>)
          "tpu.trace_stop"() : () -> ()
        } else {
        }
        %and3A_267 = arith.constant true
        %and3A_268 = arith.andi %and3A_263, %and3A_267 : i1
        %add3A_269 = arith.constant 1 : i32
        %add3A_270 = arith.addi %scan3A_125, %add3A_269 : i32
        %select_n3A_271 = arith.select %and3A_268, %add3A_270, %scan3A_125 : i32
        %ne3A_272 = arith.cmpi ne, %add3A_131, %add3A_149 : i32
        %or3A_273 = arith.constant false
        %or3A_274 = arith.ori %or3A_273, %ne3A_272 : i1
        %or3A_275 = arith.constant false
        %or3A_276 = arith.ori %or3A_274, %or3A_275 : i1
        %or3A_277 = arith.ori %or3A_276, %eq3A_130 : i1
        %add3A_278 = arith.constant 1 : i32
        %add3A_279 = arith.addi %scan3A_123, %add3A_278 : i32
        %select_n3A_280 = arith.select %or3A_277, %add3A_279, %scan3A_123 : i32
        %add3A_281 = arith.constant 1 : i32
        %add3A_282 = arith.addi %scan3A_126, %add3A_281 : i32
        %select_n3A_283 = arith.constant true
        %select_n3A_284 = arith.select %select_n3A_283, %add3A_282, %scan3A_126 : i32
        %eq3A_285 = arith.constant 8 : i32
        %eq3A_286 = arith.cmpi eq, %select_n3A_284, %eq3A_285 : i32
        %select_n3A_287 = arith.constant 0 : i32
        %select_n3A_288 = arith.select %eq3A_286, %select_n3A_287, %select_n3A_284 : i32
        scf.yield %select_n3A_169, %select_n3A_280, %select_n3A_242, %select_n3A_271, %select_n3A_288 : i32, i32, i32, i32, i32
      }
      %scan3A_68 = arith.constant 8 : i32
      %sub3A = arith.constant 1 : i32
      %sub3A_69 = arith.subi %scan3A_67#4, %sub3A : i32
      %select_n3A_70 = arith.constant true
      %select_n3A_71 = arith.select %select_n3A_70, %sub3A_69, %scan3A_67#4 : i32
      %eq3A_72 = arith.constant -1 : i32
      %eq3A_73 = arith.cmpi eq, %select_n3A_71, %eq3A_72 : i32
      %select_n3A_74 = arith.constant 7 : i32
      %select_n3A_75 = arith.select %eq3A_73, %select_n3A_74, %select_n3A_71 : i32
      %add3A_76 = arith.addi %select_n3A_75, %mul3A_6 : i32
      %sub3A_77 = arith.constant 1 : i32
      %sub3A_78 = arith.subi %select_n3A_75, %sub3A_77 : i32
      %select_n3A_79 = arith.constant true
      %select_n3A_80 = arith.select %select_n3A_79, %sub3A_78, %select_n3A_75 : i32
      %eq3A_81 = arith.constant -1 : i32
      %eq3A_82 = arith.cmpi eq, %select_n3A_80, %eq3A_81 : i32
      %select_n3A_83 = arith.constant 7 : i32
      %select_n3A_84 = arith.select %eq3A_82, %select_n3A_83, %select_n3A_80 : i32
      %add3A_85 = arith.addi %select_n3A_84, %mul3A_6 : i32
      %add3A_86 = arith.constant 1 : i32
      %add3A_87 = arith.addi %select_n3A_75, %add3A_86 : i32
      %select_n3A_88 = arith.constant true
      %select_n3A_89 = arith.select %select_n3A_88, %add3A_87, %select_n3A_75 : i32
      %eq3A_90 = arith.constant 8 : i32
      %eq3A_91 = arith.cmpi eq, %select_n3A_89, %eq3A_90 : i32
      %select_n3A_92 = arith.constant 0 : i32
      %select_n3A_93 = arith.select %eq3A_91, %select_n3A_92, %select_n3A_89 : i32
      %add3A_94 = arith.addi %select_n3A_93, %mul3A_6 : i32
      %add3A_95 = arith.constant 1 : i32
      %add3A_96 = arith.addi %select_n3A_93, %add3A_95 : i32
      %select_n3A_97 = arith.constant true
      %select_n3A_98 = arith.select %select_n3A_97, %add3A_96, %select_n3A_93 : i32
      %eq3A_99 = arith.constant 8 : i32
      %eq3A_100 = arith.cmpi eq, %select_n3A_98, %eq3A_99 : i32
      %select_n3A_101 = arith.constant 0 : i32
      %select_n3A_102 = arith.select %eq3A_100, %select_n3A_101, %select_n3A_98 : i32
      %add3A_103 = arith.addi %select_n3A_102, %mul3A_6 : i32
      "tpu.trace_start"() <{level = 10 : i32, message = "ep_finalize"}> : () -> ()
      %rem3A_104 = arith.constant 2 : i32
      %rem3A_105 = arith.remui %scan3A_67#3, %rem3A_104 : i32
      %mul3A_106 = arith.constant 64 : i32
      %mul3A_107 = arith.muli %mul3A_106, %add3A_76 : i32
      %dma_wait3A = arith.constant 0 : i32
      %dma_wait3A_108 = arith.constant 0 : i32
      %dma_wait3A_109 = tpu.memref_slice %run_scoped3A_8[%rem3A_105, %dma_wait3A, %dma_wait3A_108] : memref<2x64x32xf32, #tpu.memory_space<vmem>> -> memref<1x64x32xf32, #tpu.memory_space<vmem>>
      %dma_wait3A_110 = tpu.memref_squeeze %dma_wait3A_109 : memref<1x64x32xf32, #tpu.memory_space<vmem>> -> memref<64x32xf32, #tpu.memory_space<vmem>>
      %dma_wait3A_111 = arith.constant 0 : i32
      %dma_wait3A_112 = tpu.memref_slice %arg4[%mul3A_107, %dma_wait3A_111] : memref<16384x32xf32, #tpu.memory_space<hbm>> -> memref<64x32xf32, #tpu.memory_space<hbm>>
      %dma_wait3A_113 = tpu.memref_slice %run_scoped3A_9[%rem3A_105] : memref<2x!tpu.dma_semaphore, #tpu.memory_space<semaphore_mem>> -> memref<1x!tpu.dma_semaphore, #tpu.memory_space<semaphore_mem>>
      %dma_wait3A_114 = tpu.memref_squeeze %dma_wait3A_113 : memref<1x!tpu.dma_semaphore, #tpu.memory_space<semaphore_mem>> -> memref<!tpu.dma_semaphore, #tpu.memory_space<semaphore_mem>>
      %dma_wait3A_115 = arith.constant 0 : i32
      %dma_wait3A_116 = tpu.memref_slice %arg4[%mul3A_107, %dma_wait3A_115] : memref<16384x32xf32, #tpu.memory_space<hbm>> -> memref<64x32xf32, #tpu.memory_space<hbm>>
      %dma_wait3A_117 = arith.constant 0 : i32
      %dma_wait3A_118 = arith.constant 0 : i32
      %dma_wait3A_119 = tpu.memref_slice %run_scoped3A_8[%rem3A_105, %dma_wait3A_117, %dma_wait3A_118] : memref<2x64x32xf32, #tpu.memory_space<vmem>> -> memref<1x64x32xf32, #tpu.memory_space<vmem>>
      %dma_wait3A_120 = tpu.memref_squeeze %dma_wait3A_119 : memref<1x64x32xf32, #tpu.memory_space<vmem>> -> memref<64x32xf32, #tpu.memory_space<vmem>>
      tpu.wait_dma2 semaphore(%dma_wait3A_114 : memref<!tpu.dma_semaphore, #tpu.memory_space<semaphore_mem>>) src(%dma_wait3A_120 : memref<64x32xf32, #tpu.memory_space<vmem>>) dst(%dma_wait3A_116 : memref<64x32xf32, #tpu.memory_space<hbm>>)
      "tpu.trace_stop"() : () -> ()
      tpu.yield
    }) : () -> ()
    return
  }
}

module attributes {stable_mosaic.version = 14 : i64} {
  func.func @proj_kernel(%arg0: memref<16384x32xf32, #tpu.memory_space<vmem>>, %arg1: memref<1x32xf32, #tpu.memory_space<vmem>>, %arg2: memref<1x1xf32, #tpu.memory_space<smem>>, %arg3: memref<16384x1xf32, #tpu.memory_space<vmem>>) attributes {dimension_semantics = [], scalar_prefetch = 0 : i64, scratch_operands = 0 : i64, tpu.core_type = #tpu.core_type<tc>} {
    %get3A = arith.constant 0 : index
    %get3A_0 = arith.constant 0 : index
    %get3A_1 = vector.load %arg1[%get3A, %get3A_0] : memref<1x32xf32, #tpu.memory_space<vmem>>, vector<1x32xf32>
    %get3A_2 = arith.constant 0 : index
    %get3A_3 = arith.constant 0 : index
    %get3A_4 = vector.load %arg0[%get3A_2, %get3A_3] : memref<16384x32xf32, #tpu.memory_space<vmem>>, vector<16384x32xf32>
    %mul3A = vector.broadcast %get3A_1 : vector<1x32xf32> to vector<16384x32xf32>
    %mul3A_5 = arith.mulf %get3A_4, %mul3A : vector<16384x32xf32>
    %reduce_sum3A = arith.constant dense<0.000000e+00> : vector<16384xf32>
    %reduce_sum3A_6 = vector.multi_reduction <add>, %mul3A_5, %reduce_sum3A [1] : vector<16384x32xf32> to vector<16384xf32>
    %broadcast_in_dim3A = vector.shape_cast %reduce_sum3A_6 : vector<16384xf32> to vector<16384x1xf32>
    %mul3A_7 = arith.constant 5.000000e-02 : f32
    %mul3A_8 = vector.broadcast %mul3A_7 : f32 to vector<16384x1xf32>
    %mul3A_9 = arith.mulf %broadcast_in_dim3A, %mul3A_8 : vector<16384x1xf32>
    %get3A_10 = arith.constant 0 : index
    %get3A_11 = arith.constant 0 : index
    %get3A_12 = memref.load %arg2[%get3A_10, %get3A_11] : memref<1x1xf32, #tpu.memory_space<smem>>
    %add3A = vector.broadcast %get3A_12 : f32 to vector<16384x1xf32>
    %add3A_13 = arith.addf %mul3A_9, %add3A : vector<16384x1xf32>
    %swap3A = arith.constant 0 : index
    %swap3A_14 = arith.constant 0 : index
    %swap3A_15 = vector.load %arg3[%swap3A, %swap3A_14] : memref<16384x1xf32, #tpu.memory_space<vmem>>, vector<16384x1xf32>
    tpu.vector_store %arg3[%swap3A, %swap3A_14], %add3A_13 {strides = array<i32>} : memref<16384x1xf32, #tpu.memory_space<vmem>>, vector<16384x1xf32>,
    return
  }
}

</mosaic_0001>

<sc_bundles>
// kernel: kernel.4.cloned.1.call-start
scs
__scs_entry_jumppad:
0x0: {  	(pc) =	sbr.rel $0x88, $3  }
0x1: {  	(tag) =	ssettag $0x0;
	lr =	simm.s32 $0x1  }
0x2: {  	[smem:$0x3F9D] =	sst lr;
	_ =	strace $0xD0000000  }
0x3: {  	_ = 	snop  }
0x4: {  	_ = 	snop  }
0x5: {  	_ = 	snop  }
0x6: {  	_ = 	snop  }
0x7: {  	_ = 	snop  }
__scs_overlays_trampoline_lowered:
0x8: {  	[smem:$0x3FAC] =	sst s0  }
0x9: {  	[smem:$0x3FAD] =	sst s1  }
0xa: {  	[smem:$0x3FAE] =	sst s2  }
0xb: {  	[smem:$0x3FAF] =	sst s3  }
0xc: {  	[smem:$0x3FB0] =	sst s4  }
0xd: {  	[smem:$0x3FB1] =	sst s5  }
0xe: {  	[smem:$0x3FB2] =	sst s6  }
0xf: {  	[smem:$0x3FB3] =	sst s7  }
0x10: {  	[smem:$0x3FB4] =	sst s8  }
0x11: {  	[smem:$0x3FB5] =	sst s9;
	s0 =	simm.s32 @!p0 $0x0  }
0x12: {  	s1 =	sld [smem:$0x3F9B];
	s0 =	simm.s32 @p0 $0x1  }
0x13: {  	[smem:$0x3FB6] =	sst s0;
	s0 =	simm.s32 @!p1 $0x0  }
0x14: {  	s2 =	sld [smem:$0x3F9A];
	s0 =	simm.s32 @p1 $0x1  }
0x15: {  	[smem:$0x3FB7] =	sst s0;
	s0 =	simm.s32 @!p2 $0x0  }
0x16: {  	s3 =	sld [smem:$0x3FDB];
	s0 =	simm.s32 @p2 $0x1  }
0x17: {  	s4 =	simm.s32 $0x1BF5;
	[smem:$0x3FB9] =	sst s0  }
0x18: {  	s0 =	sld [smem:$0x3F9C];
	_ =	swait.ge [sflag:s4], $0x0  }
0x19: {  	s7 =	sld [smem:$0x3F9D]  }
0x1a: {  	s8 =	sadd.s32 $0xFFFFE003, lr  }
0x1b: {  	s9 =	sadd.s32 $0xFFFFFEF7, lr;
	s5 =	simm.s32 $0xFFFFFFFF;
	p2 =	slt.u32 s8, $0xFFFFF086  }
0x1c: {  	p1 =	slt.u32 s9, $0xF7A;
	s5 =	simm.s32 @!p2 $0x0  }
0x1d: {  	s5 =	simm.s32 @p1 $0x1;
	p0 =	seq.s32 s7, s2  }
0x1e: {  	s7 =	smul.u32 @!p0 $0xF7A, s2;
	p2 =	seq.s32 @!p0 s5, $0x0  }
0x1f: {  	s9 =	smul.u32 $0xF7A, s1;
	s8 =	simm.s32 @!p0 $0x1BF5;
	p2 =	por !p2, p0  }
0x20: {  	[sflag:s8] =	ssyncset.s32 @!p0 $0xFFFFF086;
	s6 =	sadd.s32 @!p0 s3, s7;
	s7 =	simm.s32 @!p0 $0x108  }
0x21: {  	s3 =	sadd.s32 s3, s9;
	s6 =	sadd.s32 @!p0 $0x88, s6;
	s7 =	simm.s32 @p2 $0x1082  }
0x22: {  	[simem:s7], [sflag:s8] =	dma.local @!p0 [hbm:s6], $0xF7A  }
0x23: {  	s9 =	sor.u32 $0xD0000000, s2;
	s6 =	simm.s32 $0x108;
	_ =	swait.ge @!p0 [sflag:s8], $0x0  }
0x24: {  	s3 =	sadd.s32 $0x88, s3;
	s6 =	simm.s32 @!p1 $0x1082;
	[sflag:s4] =	ssyncset.s32 $0xFFFFF086  }
0x25: {  	[simem:s6], [sflag:s4] =	dma.local [hbm:s3], $0xF7A  }
0x26: {  	[smem:$0x3F9D] =	sst s1;
	(tag) =	ssettag s2;
	_ =	strace s9  }
0x27: {  	s1 =	sld [smem:$0x3FAD]  }
0x28: {  	s2 =	sld [smem:$0x3FAE]  }
0x29: {  	s4 =	sld [smem:$0x3FB0]  }
0x2a: {  	p0 =	seq.s32 s5, $0x0;
	s5 =	sld [smem:$0x3FB1]  }
0x2b: {  	s6 =	sld [smem:$0x3FB2]  }
0x2c: {  	s7 =	sld [smem:$0x3FB3]  }
0x2d: {  	s3 =	simm.s32 $0x108;
	s8 =	sld [smem:$0x3FB4]  }
0x2e: {  	s3 =	simm.s32 @!p0 $0x1082;
	s9 =	sld [smem:$0x3FB5]  }
0x2f: {  	lr =	sadd.s32 s0, s3;
	s0 =	sld [smem:$0x3FAC]  }
0x30: {  	s3 =	sld [smem:$0x3FAF]  }
0x31: {  	[smem:$0x3FB8] =	sst s10  }
0x32: {  	s10 =	sld [smem:$0x3FB6];
	_ =	sdelay $0x3  }
0x33: {  	p0 =	seq.s32 s10, $0x1;
	s10 =	sld [smem:$0x3FB8];
	_ =	sdelay $0x3  }
0x34: {  	[smem:$0x3FB8] =	sst s10  }
0x35: {  	s10 =	sld [smem:$0x3FB7];
	_ =	sdelay $0x3  }
0x36: {  	p1 =	seq.s32 s10, $0x1;
	s10 =	sld [smem:$0x3FB8];
	_ =	sdelay $0x3  }
0x37: {  	[smem:$0x3FB8] =	sst s10  }
0x38: {  	s10 =	sld [smem:$0x3FB9]  }
0x39: {  	_ = 	snop;
	(pc) =	sbr.ind lr, $3  }
0x3a: {  	_ = 	snop  }
0x3b: {  	_ = 	snop  }
0x3c: {  	p2 =	seq.s32 s10, $0x1;
	s10 =	sld [smem:$0x3FB8]  }
0x3d: {  	_ =	shalt  }
0x3e: {  	_ =	shalt  }
0x3f: {  	_ =	shalt  }
0x40: {  	_ =	shalt  }
0x41: {  	_ =	shalt  }
0x42: {  	_ =	shalt  }
0x43: {  	_ =	shalt  }
0x44: {  	_ =	shalt  }
0x45: {  	_ =	shalt  }
0x46: {  	_ =	shalt  }
0x47: {  	_ =	shalt  }
0x48: {  	_ =	shalt  }
0x49: {  	_ =	shalt  }
0x4a: {  	_ =	shalt  }
0x4b: {  	_ =	shalt  }
0x4c: {  	_ =	shalt  }
0x4d: {  	_ =	shalt  }
0x4e: {  	_ =	shalt  }
0x4f: {  	_ =	shalt  }
0x50: {  	_ =	shalt  }
0x51: {  	_ =	shalt  }
0x52: {  	_ =	shalt  }
0x53: {  	_ =	shalt  }
0x54: {  	_ =	shalt  }
0x55: {  	_ =	shalt  }
0x56: {  	_ =	shalt  }
0x57: {  	_ =	shalt  }
0x58: {  	_ =	shalt  }
0x59: {  	_ =	shalt  }
0x5a: {  	_ =	shalt  }
0x5b: {  	_ =	shalt  }
0x5c: {  	_ =	shalt  }
0x5d: {  	_ =	shalt  }
0x5e: {  	_ =	shalt  }
0x5f: {  	_ =	shalt  }
0x60: {  	_ =	shalt  }
0x61: {  	_ =	shalt  }
0x62: {  	_ =	shalt  }
0x63: {  	_ =	shalt  }
0x64: {  	_ =	shalt  }
0x65: {  	_ =	shalt  }
0x66: {  	_ =	shalt  }
0x67: {  	_ =	shalt  }
0x68: {  	_ =	shalt  }
0x69: {  	_ =	shalt  }
0x6a: {  	_ =	shalt  }
0x6b: {  	_ =	shalt  }
0x6c: {  	_ =	shalt  }
0x6d: {  	_ =	shalt  }
0x6e: {  	_ =	shalt  }
0x6f: {  	_ =	shalt  }
0x70: {  	_ =	shalt  }
0x71: {  	_ =	shalt  }
0x72: {  	_ =	shalt  }
0x73: {  	_ =	shalt  }
0x74: {  	_ =	shalt  }
0x75: {  	_ =	shalt  }
0x76: {  	_ =	shalt  }
0x77: {  	_ =	shalt  }
0x78: {  	_ =	shalt  }
0x79: {  	_ =	shalt  }
0x7a: {  	_ =	shalt  }
0x7b: {  	_ =	shalt  }
0x7c: {  	_ =	shalt  }
0x7d: {  	_ =	shalt  }
0x7e: {  	_ =	shalt  }
0x7f: {  	_ =	shalt  }
0x80: {  	_ =	shalt  }
0x81: {  	_ =	shalt  }
0x82: {  	_ =	shalt  }
0x83: {  	_ =	shalt  }
0x84: {  	_ =	shalt  }
0x85: {  	_ =	shalt  }
0x86: {  	_ =	shalt  }
0x87: {  	_ =	shalt  }
.Lfunc_end0:
.L_simem_size_0:
called_computation_lowered:
.L_overlay_start_0:
0x88: {  	s2 =	sld [smem:$0x3FD9]  }
0x89: {  	s3 =	sld [smem:$0x3FFE];
	_ =	sdelay $0x1  }
0x8a: {  	s1 =	srdreg.scid  }
0x8b: {  	s0 =	sand.u32 $0x1, s1  }
0x8c: {  	s16 =	sshll.u32 s0, $0xA;
	s2 =	sadd.s32 s3, s2  }
0x8d: {  	s2 =	sadd.s32 s2, s16  }
0x8e: {  	[smem:$0x3FC4] =	sst s2  }
0x8f: {  	_ = 	snop  }
0x90: {  	(tm) =	ssettm $0x1  }
0x91: {  	s17 =	sld [smem:$0x3FFB];
	_ =	sdelay $0x3  }
0x92: {  	_ =	strace s17  }
0x93: {  	s2 =	sld [smem:$0x3FFC];
	_ =	sdelay $0x3  }
0x94: {  	_ =	strace s2  }
0x95: {  	s2 =	sld [smem:$0x3FFD];
	_ =	sdelay $0x3  }
0x96: {  	_ =	strace s2  }
0x97: {  	_ =	strace $0x8FFFFFFF  }
0x98: {  	s18 =	sld [smem:$0x3FDB];
	_ =	sdelay $0x1  }
0x99: {  	s19 =	simm.s32 $_scs_section_size  }
0x9a: {  	s4 =	simm.s32 $_size__tile_overlayer_lowered;
	s5 =	simm.s32 $_tile_overlayer_lowered  }
0x9b: {  	s22 =	simm.s32 $0x1BFF;
	s21 =	sshll.u32 s5, $0x1;
	s2 =	sadd.s32 s19, s18  }
0x9c: {  	s6 =	simm.s32 $0x0;
	s20 =	sshll.u32 s4, $0x1;
	s4 =	sadd.s32 s21, s2  }
0x9d: {  	[timem:s6], [sflag:s22] =	dma.local [hbm:s4], s20  }
0x9e: {  	_ =	swait.ge [sflag:s22], s20  }
0x9f: {  	s3 =	ssub.s32 $0x0, s20;
	[sflag:s22] =	ssyncset.done $0x0  }
0xa0: {  	[sflag:s22] =	ssyncadd.s32 s3;
	_ =	sdelay $0x1  }
0xa1: {  	s23 =	simm.s32 $0x1B8B  }
0xa2: {  	_ =	swait.ge [sflag:s23], $0x1  }
0xa3: {  	[sflag:s23] =	ssyncset.done $0x0  }
0xa4: {  	s25 =	simm.s32 $0x1B8E;
	s24 =	sld [smem:$0x3FFE];
	[sflag:s23] =	ssyncadd.s32 $0xFFFFFFFF  }
0xa5: {  	s26 =	simm.s32 $execute0_lowered;
	[smem:$0x3FD2] =	sst s25  }
0xa6: {  	s4 =	sshll.u32 s26, $0x1;
	_ =	strace $0x80000046;
	[dreg:$0x1] =	wrdreg $0xFFFFFFFF  }
0xa7: {  	s28 =	simm.s32 $_size_execute0_lowered;
	s2 =	sadd.s32 s2, s4;
	[dreg:$0x0] =	wrdreg $0x0  }
0xa8: {  	s4 =	sshll.u32 s28, $0x1;
	[dreg:$0x2] =	wrdreg s2  }
0xa9: {  	[dreg:$0x3] =	wrdreg s4  }
0xaa: {  	[dreg:$0x4] =	wrdreg $0xC0  }
0xab: {  	_ =	task [dreg:s6], $0x5FFFF  }
0xac: {  	[dreg:$0x1] =	wrdreg $0xFFFFFFFF  }
0xad: {  	[dreg:$0x0] =	wrdreg $0x60  }
0xae: {  	[dreg:$0x2] =	wrdreg s24  }
0xaf: {  	[dreg:$0x3] =	wrdreg $0x9  }
0xb0: {  	_ =	task.clear_ibuf [dreg:s6], $0x4FFFF;
	_ =	strace $0x90000046  }
0xb1: {  	s29 =	simm.s32 $0x9;
	_ =	strace $0x8000004F  }
0xb2: {  	_ =	swait.ge [sflag:s29], $0x1  }
0xb3: {  	[sflag:s29] =	ssyncadd.s32 $0xFFFFFFFF  }
0xb4: {  	_ =	strace $0x9000004F  }
0xb5: {  	_ =	sfence  }
0xb6: {  	s30 =	sld [smem:$0x0];
	_ =	sdelay $0x2  }
0xb7: {  	s31 =	sshll.u32 s1, $0xD;
	s1 =	sshrl.u32 s1, $0x2  }
0xb8: {  	s3 =	sand.u32 $0x4000, s31;
	s1 =	sadd.s32 s1, s30  }
0xb9: {  	s0 =	sor.u32 s3, s0;
	s1 =	sshll.u32 s1, $0x11  }
0xba: {  	s0 =	sor.u32 s1, s0  }
0xbb: {  	s0 =	sadd.s32 $0x8F2B, s0  }
0xbc: {  	[sflag:s0] =	ssyncadd.remote.s32 $0x1  }
0xbd: {  	_ =	sfence.sel $0xFFFF  }
0xbe: {  	[dreg:$0x0] =	wrdreg $0xFFFFFFFF;
	(pc) =	sbr.abs _section_cstart, $3  }
0xbf: {  	[dreg:$0x1] =	wrdreg $0xFFFFFFFF  }
0xc0: {  	_ =	task.clear_ibuf [dreg:s6], $0x2FFFF;
	_ =	strace $0x9FFFFFFF  }
0xc1: {  	(tm) =	ssettm $0x7FFFFFFF  }
tec
execute0_lowered:
.L_overlay_start_1:
0x0: {  	(tag) =	ssettag $0x1  }
0x1: {  	s5 =	rddreg [dreg:$0x0]  }
0x2: {  	s1 =	srdreg.scid;
	s0 =	rddreg [dreg:$0x1];
	s2 =	simm.s32 $0x0  }
0x3: {  	s10 =	simm.s32 $0x14;
	s11 =	simm.s32 $0x1;
	s12 =	simm.s32 $0x5  }
0x4: {  	s13 =	simm.s32 $0x0;
	s4 =	sand.u32 $0x1, s1;
	[smem:$0x7FF] =	sst s2  }
0x5: {  	s1 =	stileid.u32;
	s3 =	sshll.u32 s4, $0x4;
	_ =	strace $0x80000047  }
0x6: {  	s7 =	ssub.s32 $0x2, s4;
	s4 =	sadd.s32 $0x800, s5;
	s6 =	sor.u32 s1, s3  }
0x7: {  	s3 =	sadd.s32 $0xF42C00, s5;
	s9 =	sshrl.u32 s7, $0x1;
	s8 =	smul.u32 $0x600, s6  }
0x8: {  	s5 =	sadd.s32 $0xC800, s5;
	s9 =	ssub.s32 s7, s9;
	s6 =	sshll.u32 s6, $0x3  }
0x9: {  	s7 =	sadd.s32 s4, s8;
	s8 =	smax.u32 s9, $0x1;
	s9 =	simm.s32 $0xA000  }
.LBB2_1:
0xa: {  	_ =	strace $0x80000048;
	s14 =	simm.s32 $0x0  }
0xb: {  	s15 =	simm.s32 $0x0;
	s16 =	simm.s32 $0x0;
	s17 =	simm.s32 $0x0  }
0xc: {  	[tilespmem:s9], [sflag:$0x2] =	stream.linear.gather [hbm4b:s7+s2], $0x600, $0x200038;
	[tilespmem:$0xBC00] =	vst v63  }
0xd: {  	s18 =	simm.s32 $0x1;
	s19 =	simm.s32 $0x0;
	_ =	strace $0x90000048  }
.LBB2_2:
0xe: {  	s20 =	smov.u32 s14;
	s14 =	sadd.s32 $0x1, s14  }
0xf: {  	p0 =	seq.s32 s14, $0x8  }
0x10: {  	s14 =	simm.s32 @p0 $0x0  }
0x11: {  	p6 =	sne.s32 s19, $0x7;
	p1 =	sne.s32 s20, s14  }
0x12: {  	p0 =	por !p6, !p1  }
0x13: {  	p0 =	por !p0, !p0  }
0x14: {  	s21 =	sand.u32 @p0 $0x1, s18  }
0x15: {  	s22 =	sadd.s32 @p0 s6, s14;
	s23 =	smul.u32 @p0 $0x1800, s21  }
0x16: {  	s22 =	smul.u32 @p0 $0x600, s22  }
0x17: {  	_ =	strace @p0 $0x80000049  }
0x18: {  	s24 =	simm.s32 @p0 $0x0;
	s23 =	sshrl.u32 @p0 s23, $0x2;
	s22 =	sshrl.u32 @p0 s22, $0x3  }
0x19: {  	s21 =	sor.u32 @p0 $0x2, s21;
	s23 =	sor.u32 @p0 $0xA000, s23;
	s22 =	sadd.s32 @p0 s4, s22  }
0x1a: {  	[tilespmem:s23], [sflag:s21] =	stream.linear.gather @p0 [hbm4b:s22+s24], $0x600, $0x200038;
	[tilespmem:$0xBC00] =	vst v63  }
0x1b: {  	s29 =	sand.u32 $0x1, s17;
	_ =	strace @p0 $0x90000049  }
0x1c: {  	s30 =	sor.u32 $0x2, s29;
	_ =	strace $0x8000004A  }
0x1d: {  	_ =	swait.ge [sflag:s30], $0x600  }
0x1e: {  	p2 =	seq.s32 s29, $0x1;
	[sflag:s30] =	ssyncset.done $0x0  }
0x1f: {  	s20 =	sadd.s32 s6, s20;
	s21 =	simm.s32 $0xA600;
	[sflag:s30] =	ssyncadd.s32 $0xFFFFFA00  }
0x20: {  	s22 =	simm.s32 $0x0;
	s21 =	simm.s32 @!p2 $0xA000;
	_ =	strace $0x9000004A  }
0x21: {  	s23 =	simm.s32 $0x60;
	s31 =	sadd.s32 $0x0, s21;
	_ =	strace $0x8000004B  }
0x22: {  	[tilespmem:s22], [sflag:$0x1] =	stream.indirect.gather [hbm4b:s3+s10], $0x20, s31, s10, $0x2000b8;
	[tilespmem:$0xBC00] =	vst v63  }
.LBB2_3:
0x23: {  	p2 =	sne.s32 s23, $0x17A0  }
.Ltmp0:
0x24: {  	_ = 	snop;
	(pc) =	sbr.rel @p2 .LBB2_3-.Ltmp0, $4  }
0x25: {  	_ = 	snop  }
0x26: {  	s24 =	sshra.s32 s23, $0x2;
	s23 =	sadd.s32 $0x60, s23  }
0x27: {  	s22 =	sadd.s32 $0x280, s22;
	s24 =	sadd.s32 s24, s21  }
0x28: {  	[tilespmem:s22], [sflag:$0x1] =	stream.indirect.gather [hbm4b:s3+s10], $0x20, s24, s10, $0x2000b8;
	[tilespmem:$0xBC00] =	vst v63  }
0x29: {  	_ =	swait.ge [sflag:s11], $0xA000  }
0x2a: {  	[sflag:s11] =	ssyncset.done $0x0  }
0x2b: {  	s23 =	simm.s32 $0x140;
	[sflag:s11] =	ssyncadd.s32 $0xFFFF6000  }
0x2c: {  	s21 =	sand.u32 $0x1, s16;
	v1 =	vld [tilespmem:s23+$0xFFFFFEF0]  }
0x2d: {  	s22 =	sshll.u32 s21, $0xB;
	v2 =	vld [tilespmem:s23+$0xFFFFFEE0]  }
0x2e: {  	s22 =	sadd.s32 $0xAC00, s22;
	v3 =	vld [tilespmem:s23+$0xFFFFFEC0]  }
0x2f: {  	s24 =	simm.s32 $0x0;
	s25 =	simm.s32 $0x80;
	v0 =	vmov s22;
	v4 =	vld [tilespmem:s23+$0xFFFFFED0]  }
.LBB2_5:
0x30: {  	p2 =	sne.s32 s25, $0x1F80;
	v5 =	vld [tilespmem:s23+$0xFFFFFF00]  }
0x31: {  	v6 =	vld [tilespmem:s23+$0xFFFFFF10]  }
0x32: {  	v7 =	vld [tilespmem:s23+$0xFFFFFF20]  }
0x33: {  	v2 =	vadd.f32 v2, v3;
	v3 =	vld [tilespmem:s23+$0xFFFFFF30]  }
0x34: {  	v1 =	vadd.f32 v1, v4;
	v4 =	vld [tilespmem:s23+$0xFFFFFF40]  }
0x35: {  	v2 =	vadd.f32 v5, v2;
	v5 =	vld [tilespmem:s23+$0xFFFFFF50]  }
0x36: {  	v1 =	vadd.f32 v6, v1;
	v6 =	vld [tilespmem:s23+$0xFFFFFF60]  }
0x37: {  	v2 =	vadd.f32 v7, v2;
	v7 =	vld [tilespmem:s23+$0xFFFFFF70]  }
0x38: {  	v1 =	vadd.f32 v3, v1;
	v3 =	vld [tilespmem:s23+$0xFFFFFF80]  }
0x39: {  	v2 =	vadd.f32 v4, v2;
	v4 =	vld [tilespmem:s23+$0xFFFFFF90]  }
0x3a: {  	v1 =	vadd.f32 v5, v1;
	v5 =	vld [tilespmem:s23+$0xFFFFFFA0]  }
0x3b: {  	v2 =	vadd.f32 v6, v2;
	v6 =	vld [tilespmem:s23+$0xFFFFFFB0]  }
0x3c: {  	v1 =	vadd.f32 v7, v1;
	v7 =	vld [tilespmem:s23+$0xFFFFFFC0]  }
0x3d: {  	v2 =	vadd.f32 v3, v2;
	v3 =	vld [tilespmem:s23+$0xFFFFFFD0]  }
0x3e: {  	v1 =	vadd.f32 v4, v1;
	v4 =	vld [tilespmem:s23+$0xFFFFFFE0]  }
0x3f: {  	v2 =	vadd.f32 v5, v2;
	v5 =	vld [tilespmem:s23+$0xFFFFFFF0]  }
0x40: {  	v1 =	vadd.f32 v6, v1;
	v6 =	vld [tilespmem:s23+$0x0]  }
0x41: {  	v2 =	vadd.f32 v7, v2;
	v7 =	vld [tilespmem:s23+$0x10]  }
0x42: {  	v1 =	vadd.f32 v3, v1;
	v3 =	vld [tilespmem:s23+$0x20]  }
0x43: {  	v2 =	vadd.f32 v4, v2;
	v4 =	vld [tilespmem:s23+$0x30]  }
0x44: {  	v1 =	vadd.f32 v5, v1;
	v5 =	vld [tilespmem:s23+$0x40]  }
0x45: {  	v2 =	vadd.f32 v6, v2;
	v6 =	vld [tilespmem:s23+$0x50]  }
0x46: {  	v1 =	vadd.f32 v7, v1;
	v7 =	vld [tilespmem:s23+$0x60]  }
0x47: {  	v2 =	vadd.f32 v3, v2;
	v3 =	vld [tilespmem:s23+$0x70]  }
0x48: {  	v1 =	vadd.f32 v4, v1;
	v4 =	vld [tilespmem:s23+$0x80]  }
0x49: {  	v2 =	vadd.f32 v5, v2;
	v5 =	vld [tilespmem:s23+$0x90]  }
0x4a: {  	v1 =	vadd.f32 v6, v1;
	v6 =	vld [tilespmem:s23+$0xA0]  }
0x4b: {  	v2 =	vadd.f32 v7, v2;
	v7 =	vld [tilespmem:s23+$0xB0]  }
0x4c: {  	v1 =	vadd.f32 v3, v1;
	v3 =	vld [tilespmem:s23+$0xC0]  }
0x4d: {  	v2 =	vadd.f32 v4, v2;
	v4 =	vld [tilespmem:s23+$0xD0]  }
0x4e: {  	v1 =	vadd.f32 v5, v1;
	v5 =	vld [tilespmem:s23+$0xE0]  }
0x4f: {  	v2 =	vadd.f32 v6, v2;
	v6 =	vld [tilespmem:s23+$0xF0]  }
0x50: {  	v1 =	vadd.f32 v7, v1;
	v7 =	vld [tilespmem:s23+$0x100]  }
0x51: {  	v2 =	vadd.f32 v3, v2;
	v3 =	vld [tilespmem:s23+$0x110]  }
0x52: {  	v1 =	vadd.f32 v4, v1;
	v4 =	vld [tilespmem:s23+$0x120]  }
0x53: {  	v2 =	vadd.f32 v5, v2;
	v5 =	vld [tilespmem:s23+$0x130]  }
0x54: {  	v1 =	vadd.f32 v6, v1  }
0x55: {  	v2 =	vadd.f32 v7, v2  }
0x56: {  	v1 =	vadd.f32 v3, v1  }
0x57: {  	v2 =	vadd.f32 v4, v2  }
0x58: {  	s26 =	sshra.s32 s24, $0x2;
	s24 =	smov.u32 s25;
	v1 =	vadd.f32 v5, v1  }
0x59: {  	[tilespmem:v0+s26+$0x0 ss:$0x1] =	vst.idx.msk $0xffff, v2  }
.Ltmp1:
0x5a: {  	s23 =	sadd.s32 $0x280, s23;
	[tilespmem:v0+s26+$0x10 ss:$0x1] =	vst.idx.msk $0xffff, v1;
	(pc) =	sbr.rel @p2 .LBB2_5-.Ltmp1, $4  }
0x5b: {  	v1 =	vld [tilespmem:s23+$0xFFFFFEF0]  }
0x5c: {  	v2 =	vld [tilespmem:s23+$0xFFFFFEE0]  }
0x5d: {  	v3 =	vld [tilespmem:s23+$0xFFFFFEC0]  }
0x5e: {  	s25 =	sadd.s32 $0x80, s25;
	v4 =	vld [tilespmem:s23+$0xFFFFFED0]  }
0x5f: {  	v5 =	vld [tilespmem:s23+$0xFFFFFF00]  }
0x60: {  	v6 =	vld [tilespmem:s23+$0xFFFFFF10]  }
0x61: {  	v7 =	vld [tilespmem:s23+$0xFFFFFF20]  }
0x62: {  	v31 =	vld [tilespmem:s23+$0xFFFFFF30];
	v2 =	vadd.f32 v2, v3  }
0x63: {  	v32 =	vld [tilespmem:s23+$0xFFFFFF40];
	v1 =	vadd.f32 v1, v4  }
0x64: {  	v33 =	vld [tilespmem:s23+$0xFFFFFF50];
	v2 =	vadd.f32 v5, v2  }
0x65: {  	v34 =	vld [tilespmem:s23+$0xFFFFFF60];
	v1 =	vadd.f32 v6, v1  }
0x66: {  	v35 =	vld [tilespmem:s23+$0xFFFFFF70];
	v2 =	vadd.f32 v7, v2  }
0x67: {  	v36 =	vld [tilespmem:s23+$0xFFFFFF80];
	v1 =	vadd.f32 v31, v1  }
0x68: {  	v37 =	vld [tilespmem:s23+$0xFFFFFF90];
	v2 =	vadd.f32 v32, v2  }
0x69: {  	v38 =	vld [tilespmem:s23+$0xFFFFFFA0];
	v1 =	vadd.f32 v33, v1  }
0x6a: {  	v39 =	vld [tilespmem:s23+$0xFFFFFFB0];
	v2 =	vadd.f32 v34, v2  }
0x6b: {  	v40 =	vld [tilespmem:s23+$0xFFFFFFC0];
	v1 =	vadd.f32 v35, v1  }
0x6c: {  	v41 =	vld [tilespmem:s23+$0xFFFFFFD0];
	v2 =	vadd.f32 v36, v2  }
0x6d: {  	v42 =	vld [tilespmem:s23+$0xFFFFFFE0];
	v1 =	vadd.f32 v37, v1  }
0x6e: {  	v43 =	vld [tilespmem:s23+$0xFFFFFFF0];
	v2 =	vadd.f32 v38, v2  }
0x6f: {  	v44 =	vld [tilespmem:s23+$0x0];
	v1 =	vadd.f32 v39, v1  }
0x70: {  	v45 =	vld [tilespmem:s23+$0x10];
	v2 =	vadd.f32 v40, v2  }
0x71: {  	v46 =	vld [tilespmem:s23+$0x20];
	v1 =	vadd.f32 v41, v1  }
0x72: {  	v47 =	vld [tilespmem:s23+$0x30];
	v2 =	vadd.f32 v42, v2  }
0x73: {  	v48 =	vld [tilespmem:s23+$0x40];
	v1 =	vadd.f32 v43, v1  }
0x74: {  	v49 =	vld [tilespmem:s23+$0x50];
	v2 =	vadd.f32 v44, v2  }
0x75: {  	v50 =	vld [tilespmem:s23+$0x60];
	v1 =	vadd.f32 v45, v1  }
0x76: {  	v51 =	vld [tilespmem:s23+$0x70];
	v2 =	vadd.f32 v46, v2  }
0x77: {  	v52 =	vld [tilespmem:s23+$0x80];
	v1 =	vadd.f32 v47, v1  }
0x78: {  	v53 =	vld [tilespmem:s23+$0x90];
	v2 =	vadd.f32 v48, v2  }
0x79: {  	v54 =	vld [tilespmem:s23+$0xA0];
	v1 =	vadd.f32 v49, v1  }
0x7a: {  	v55 =	vld [tilespmem:s23+$0xB0];
	v2 =	vadd.f32 v50, v2  }
0x7b: {  	v56 =	vld [tilespmem:s23+$0xC0];
	v1 =	vadd.f32 v51, v1  }
0x7c: {  	v57 =	vld [tilespmem:s23+$0xD0];
	v2 =	vadd.f32 v52, v2  }
0x7d: {  	v58 =	vld [tilespmem:s23+$0xE0];
	v1 =	vadd.f32 v53, v1  }
0x7e: {  	v59 =	vld [tilespmem:s23+$0xF0];
	v2 =	vadd.f32 v54, v2  }
0x7f: {  	v60 =	vld [tilespmem:s23+$0x100];
	v1 =	vadd.f32 v55, v1  }
0x80: {  	v61 =	vld [tilespmem:s23+$0x110];
	v2 =	vadd.f32 v56, v2  }
0x81: {  	v62 =	vld [tilespmem:s23+$0x120];
	v1 =	vadd.f32 v57, v1  }
0x82: {  	v63 =	vld [tilespmem:s23+$0x130];
	v2 =	vadd.f32 v58, v2  }
0x83: {  	v1 =	vadd.f32 v59, v1  }
0x84: {  	v2 =	vadd.f32 v60, v2  }
0x85: {  	v1 =	vadd.f32 v61, v1  }
0x86: {  	v2 =	vadd.f32 v62, v2  }
0x87: {  	s31 =	sshra.s32 s24, $0x2;
	p2 =	seq.s32 s19, $0x7;
	v1 =	vadd.f32 v63, v1  }
0x88: {  	s23 =	simm.s32 $0x1;
	p1 =	por p2, p1;
	[tilespmem:v0+s31+$0x0 ss:$0x1] =	vst.idx.msk $0xffff, v2  }
0x89: {  	s23 =	simm.s32 @!p0 $0x0;
	p0 =	seq.s32 s19, $0x0;
	s20 =	sshll.u32 @p1 s20, $0x8;
	[tilespmem:v0+s31+$0x10 ss:$0x1] =	vst.idx.msk $0xffff, v1  }
0x8a: {  	s21 =	sor.u32 @p1 $0x4, s21;
	s20 =	sand.u32 @p1 $0x1FFFFF00, s20;
	_ =	strace $0x9000004B  }
0x8b: {  	s24 =	simm.s32 @p1 $0x0;
	s20 =	sadd.s32 @p1 s5, s20;
	_ =	strace @p1 $0x8000004C  }
0x8c: {  	[hbm4b:s20+s24] =	stream.linear.scatter @p1 [tilespmem:s22], [sflag:s21], $0x800, $0x200038;
	[tilespmem:$0xBC00] =	vst v63  }
0x8d: {  	s20 =	simm.s32 $0x1;
	s22 =	simm.s32 $0x1;
	_ =	strace @p1 $0x9000004C  }
0x8e: {  	s20 =	simm.s32 @!p1 $0x0;
	p1 =	sne.s32 s19, $0x0;
	s19 =	sadd.s32 $0x1, s19  }
0x8f: {  	s21 =	sand.u32 @!p0 $0x1, s15;
	s22 =	simm.s32 @!p1 $0x0;
	p1 =	sne.s32 s19, $0x8  }
.Ltmp2:
0x90: {  	s21 =	sor.u32 @!p0 $0x4, s21;
	_ =	strace @!p0 $0x8000004D;
	(pc) =	sbr.rel @p1 .LBB2_2-.Ltmp2, $4  }
0x91: {  	_ =	swait.ge @!p0 [sflag:s21], $0x800  }
0x92: {  	[sflag:s21] =	ssyncset.done @!p0 $0x0  }
0x93: {  	s18 =	sadd.s32 s23, s18;
	s16 =	sadd.s32 s20, s16;
	[sflag:s21] =	ssyncadd.s32 @!p0 $0xFFFFF800  }
0x94: {  	s17 =	sadd.s32 s20, s17;
	s15 =	sadd.s32 s22, s15;
	_ =	strace @!p0 $0x9000004D  }
0x95: {  	s13 =	sadd.s32 $0x1, s13  }
0x96: {  	p0 =	sne.s32 s13, s8  }
.Ltmp3:
0x97: {  	_ =	strace $0x8000004E;
	(pc) =	sbr.rel @p0 .LBB2_1-.Ltmp3, $4  }
0x98: {  	_ =	swait.ge [sflag:s12], $0x800  }
0x99: {  	[sflag:s12] =	ssyncset.done $0x0  }
0x9a: {  	[sflag:s12] =	ssyncadd.s32 $0xFFFFF800  }
0x9b: {  	_ =	strace $0x9000004E  }
0x9c: {  	_ =	sfence.sel $0x180000  }
0x9d: {  	[bflag:$0x0] =	sbarrier.arrive $0xFFFF  }
0x9e: {  	p0 =	sne.s32 s1, $0x0;
	_ =	strace $0x90000047  }
0x9f: {  	s0 =	sadd.s32 @!p0 $0x100000, s0;
	[bflag:$0x2] =	sbarrier.arrive $0xFFFF  }
0xa0: {  	[sflag:s0] =	ssyncadd.tile.s32 @!p0 $0x1;
	_ =	shalt  }
.Lfunc_end2:
_tile_overlayer_lowered:
.L_overlay_start_2:
0xa1: {  	(tag) =	ssettag $0x2  }
0xa2: {  	s0 =	rddreg [dreg:$0x0];
	s2 =	stileid.u32  }
0xa3: {  	s1 =	rddreg [dreg:$0x1];
	p0 =	sne.s32 s2, $0x0  }
0xa4: {  	s3 =	rddreg [dreg:$0x2];
	[bflag:$0x3] =	sbarrier.arrive $0xFFFF;
	s2 =	simm.s32 @!p0 $0x1C02  }
0xa5: {  	[timem:s3], [sflag:s2] =	dma.local @!p0 [hbm:s0], s1  }
0xa6: {  	s0 =	simm.s32 @!p0 $0x2  }
0xa7: {  	_ =	swait.ge @!p0 [sflag:s0], s1  }
0xa8: {  	s1 =	ssub.s32 @!p0 $0x0, s1;
	[sflag:s0] =	ssyncset.done @!p0 $0x0  }
0xa9: {  	[sflag:s0] =	ssyncadd.s32 @!p0 s1  }
0xaa: {  	[bflag:$0x3] =	sbarrier.arrive $0xFFFF  }
0xab: {  	_ =	shalt  }

</sc_bundles>
